<compile_context>
chip_gen: v7x
topology: tpu7x:2x2x1
jax: 0.10.2.dev20260603
libtpu: 0.0.44.dev20260713+nightly
codegen_flags: <defaults>
</compile_context>

<pallas_src>
import functools

import jax
import jax.numpy as jnp
from jax import lax
from jax.experimental import pallas as pl
from jax.experimental.pallas import tpu as pltpu
from jax.experimental.pallas import tpu_sc as plsc

E = 320000
N = 10000
NPAD = 10240
D = 128
W = D // 2
L = 16
NC = 2
NS = 16
NW = NC * NS
PW = E // NW
CH = 80
NCHUNK = PW // CH
NGRP = CH // L

_mesh = plsc.VectorSubcoreMesh(core_axis_name="c", subcore_axis_name="s")


@functools.partial(
    pl.kernel,
    mesh=_mesh,
    compiler_params=pltpu.CompilerParams(needs_layout_passes=False,
                                         use_tc_tiling_on_sc=False),
    out_type=jax.ShapeDtypeStruct((E,), jnp.float32),
    scratch_types=[
        pltpu.VMEM((PW,), jnp.int32),
        pltpu.VMEM((PW,), jnp.int32),
        pltpu.VMEM((CH, W), jnp.int32),
        pltpu.VMEM((CH, W), jnp.int32),
        pltpu.VMEM((CH, W), jnp.int32),
        pltpu.VMEM((CH, W), jnp.int32),
        pltpu.VMEM((PW,), jnp.float32),
        pltpu.SemaphoreType.DMA,
        pltpu.SemaphoreType.DMA,
    ],
)
def _edge_dot(z_hbm, src_hbm, dst_hbm, out_hbm, sidx_v,
              didx_v, srows0_v, drows0_v, srows1_v, drows1_v, out_v,
              sem0, sem1):
    cid = lax.axis_index("c")
    sid = lax.axis_index("s")
    wid = sid * NC + cid
    base = wid * PW
    lanes = lax.iota(jnp.int32, L)
    srows = (srows0_v, srows1_v)
    drows = (drows0_v, drows1_v)
    sems = (sem0, sem1)

    pltpu.sync_copy(src_hbm.at[pl.ds(base, PW)], sidx_v)
    pltpu.sync_copy(dst_hbm.at[pl.ds(base, PW)], didx_v)

    def fetch(c, b):
        sl = pl.ds(c * CH, CH)
        pltpu.async_copy(z_hbm.at[sidx_v.at[sl]], srows[b], sems[b])
        pltpu.async_copy(z_hbm.at[didx_v.at[sl]], drows[b], sems[b])

    def drain(b):
        pltpu.make_async_copy(z_hbm.at[sidx_v.at[pl.ds(0, CH)]],
                              srows[b], sems[b]).wait()
        pltpu.make_async_copy(z_hbm.at[didx_v.at[pl.ds(0, CH)]],
                              drows[b], sems[b]).wait()

    WCH = 32

    def compute(c, b):
        def grp_body(g, gcarry):
            rows16 = g * L + lanes

            def wchunk(k, carry):
                col, acc_a, acc_b = carry
                for w in range(0, WCH, 2):
                    ws0 = plsc.load_gather(srows[b], [rows16, col])
                    wd0 = plsc.load_gather(drows[b], [rows16, col])
                    col1 = lax.bitwise_and(col + 1, W - 1)
                    ws1 = plsc.load_gather(srows[b], [rows16, col1])
                    wd1 = plsc.load_gather(drows[b], [rows16, col1])
                    col = lax.bitwise_and(col + 2, W - 1)
                    pr = (plsc.bitcast(ws0, jnp.bfloat16)
                          * plsc.bitcast(wd0, jnp.bfloat16)
                          + plsc.bitcast(ws1, jnp.bfloat16)
                          * plsc.bitcast(wd1, jnp.bfloat16))
                    pa, pb = plsc.unpack(
                        pr, format=plsc.PackFormat.INTERLEAVED,
                        preferred_element_type=jnp.float32)
                    acc_a = acc_a + pa
                    acc_b = acc_b + pb
                return col, acc_a, acc_b

            zero = jnp.zeros((L,), jnp.float32)
            _, acc_a, acc_b = lax.fori_loop(0, W // WCH, wchunk,
                                            (lanes, zero, zero))
            out_v[pl.ds(c * CH + g * L, L)] = acc_a + acc_b
            return gcarry

        lax.fori_loop(0, NGRP, grp_body, 0)

    fetch(0, 0)

    def pair_body(p, carry):
        c0 = 2 * p
        fetch(c0 + 1, 1)
        drain(0)
        compute(c0, 0)
        fetch(c0 + 2, 0)
        drain(1)
        compute(c0 + 1, 1)
        return carry

    lax.fori_loop(0, (NCHUNK - 1) // 2, pair_body, 0)

    drain(0)
    compute(NCHUNK - 1, 0)

    pltpu.sync_copy(out_v, out_hbm.at[pl.ds(base, PW)])


def kernel(z, edge_label_index):
    idx = edge_label_index.astype(jnp.int32)
    zw = lax.bitcast_convert_type(
        z.astype(jnp.bfloat16).reshape(N, W, 2), jnp.int32)
    zw = jnp.pad(zw, ((0, NPAD - N), (0, 0)))
    return _edge_dot(zw, idx[0], idx[1])

# --- scband reference (transcript-rebuilt; emitter-appended) ---
"""Pipeline reference for scband-edge-decoder-40535901340073 (READ-ONLY COPY).

The authoritative reference and input builder live on the scoring server;
editing this copy changes nothing except your own understanding.
"""

import jax, jax.numpy as jnp
import numpy as np


def setup_inputs(seed: int = 0) -> dict:
    key = jax.random.key(seed)
    k1, k2 = jax.random.split(key)
    z = jax.random.normal(k1, (10000, 128), dtype=jnp.float32)
    edge_label_index = jax.random.randint(k2, (2, 320000), 0, 10000, dtype=jnp.int64 if jax.config.jax_enable_x64 else jnp.int32)
    return {"z": z, "edge_label_index": edge_label_index}


def reference(z, edge_label_index):
    senders = jnp.take(z, edge_label_index[0], axis=0)
    receivers = jnp.take(z, edge_label_index[1], axis=0)
    return (senders * receivers).sum(axis=-1)

if __name__ == "__main__":
    import jax
    _d = setup_inputs()
    print(jax.jit(kernel)(*tuple(_d.values())))

</pallas_src>

<mosaic_0001>
#map = affine_map<(d0, d1) -> (0, 0)>
#map1 = affine_map<(d0, d1) -> (0)>
module attributes {stable_mosaic.version = 14 : i64} {
  func.func @_edge_dot(%arg0: i32, %arg1: i32, %arg2: memref<10240x64xi32, #tpu.memory_space<hbm>>, %arg3: memref<320000xi32, #tpu.memory_space<hbm>>, %arg4: memref<320000xi32, #tpu.memory_space<hbm>>, %arg5: memref<320000xf32, #tpu.memory_space<hbm>>, %arg6: memref<10000xi32, #tpu.memory_space<vmem>>, %arg7: memref<10000xi32, #tpu.memory_space<vmem>>, %arg8: memref<80x64xi32, #tpu.memory_space<vmem>>, %arg9: memref<80x64xi32, #tpu.memory_space<vmem>>, %arg10: memref<80x64xi32, #tpu.memory_space<vmem>>, %arg11: memref<80x64xi32, #tpu.memory_space<vmem>>, %arg12: memref<10000xf32, #tpu.memory_space<vmem>>, %arg13: memref<!tpu.dma_semaphore, #tpu.memory_space<semaphore_mem>>, %arg14: memref<!tpu.dma_semaphore, #tpu.memory_space<semaphore_mem>>) attributes {dimension_semantics = [#tpu.dimension_semantics<core_parallel>, #tpu.dimension_semantics<subcore_parallel>], iteration_bounds = array<i64: 2, 16>, scalar_prefetch = 0 : i64, scratch_operands = 9 : i64, tpu.core_type = #tpu.core_type<sc_vector_subcore>, window_params = [{transform_indices = #map}, {transform_indices = #map1}, {transform_indices = #map1}, {transform_indices = #map1}]} {
    %mul3A = arith.constant 2 : i32
    %mul3A_0 = arith.muli %arg1, %mul3A : i32
    %add3A = arith.addi %mul3A_0, %arg0 : i32
    %mul3A_1 = arith.constant 10000 : i32
    %mul3A_2 = arith.muli %add3A, %mul3A_1 : i32
    %iota3A = tpu.iota {dimensions = array<i32: 0>} : vector<16xi32>
    "tpu.region"() ({
      %run_scoped3A = tpu.sem_alloc : memref<!tpu.dma_semaphore, #tpu.memory_space<semaphore_mem>>
      %dma_start3A_32 = tpu.memref_slice %arg3[%mul3A_2] : memref<320000xi32, #tpu.memory_space<hbm>> -> memref<10000xi32, #tpu.memory_space<hbm>>
      %dma_start3A_33 = tpu.memref_slice %arg3[%mul3A_2] : memref<320000xi32, #tpu.memory_space<hbm>> -> memref<10000xi32, #tpu.memory_space<hbm>>
      tpu.enqueue_dma source(%dma_start3A_33 : memref<10000xi32, #tpu.memory_space<hbm>>) target(%arg6 : memref<10000xi32, #tpu.memory_space<vmem>>) target_semaphore(%run_scoped3A : memref<!tpu.dma_semaphore, #tpu.memory_space<semaphore_mem>>)
      %dma_wait3A_34 = tpu.memref_slice %arg3[%mul3A_2] : memref<320000xi32, #tpu.memory_space<hbm>> -> memref<10000xi32, #tpu.memory_space<hbm>>
      %dma_wait3A_35 = tpu.memref_slice %arg3[%mul3A_2] : memref<320000xi32, #tpu.memory_space<hbm>> -> memref<10000xi32, #tpu.memory_space<hbm>>
      tpu.wait_dma2 semaphore(%run_scoped3A : memref<!tpu.dma_semaphore, #tpu.memory_space<semaphore_mem>>) src(%dma_wait3A_35 : memref<10000xi32, #tpu.memory_space<hbm>>) dst(%arg6 : memref<10000xi32, #tpu.memory_space<vmem>>)
      tpu.yield
    }) : () -> ()
    "tpu.region"() ({
      %run_scoped3A = tpu.sem_alloc : memref<!tpu.dma_semaphore, #tpu.memory_space<semaphore_mem>>
      %dma_start3A_32 = tpu.memref_slice %arg4[%mul3A_2] : memref<320000xi32, #tpu.memory_space<hbm>> -> memref<10000xi32, #tpu.memory_space<hbm>>
      %dma_start3A_33 = tpu.memref_slice %arg4[%mul3A_2] : memref<320000xi32, #tpu.memory_space<hbm>> -> memref<10000xi32, #tpu.memory_space<hbm>>
      tpu.enqueue_dma source(%dma_start3A_33 : memref<10000xi32, #tpu.memory_space<hbm>>) target(%arg7 : memref<10000xi32, #tpu.memory_space<vmem>>) target_semaphore(%run_scoped3A : memref<!tpu.dma_semaphore, #tpu.memory_space<semaphore_mem>>)
      %dma_wait3A_34 = tpu.memref_slice %arg4[%mul3A_2] : memref<320000xi32, #tpu.memory_space<hbm>> -> memref<10000xi32, #tpu.memory_space<hbm>>
      %dma_wait3A_35 = tpu.memref_slice %arg4[%mul3A_2] : memref<320000xi32, #tpu.memory_space<hbm>> -> memref<10000xi32, #tpu.memory_space<hbm>>
      tpu.wait_dma2 semaphore(%run_scoped3A : memref<!tpu.dma_semaphore, #tpu.memory_space<semaphore_mem>>) src(%dma_wait3A_35 : memref<10000xi32, #tpu.memory_space<hbm>>) dst(%arg7 : memref<10000xi32, #tpu.memory_space<vmem>>)
      tpu.yield
    }) : () -> ()
    %dma_start3A = arith.constant 0 : i32
    %dma_start3A_3 = tpu.memref_slice %arg6[%dma_start3A] : memref<10000xi32, #tpu.memory_space<vmem>> -> memref<80xi32, #tpu.memory_space<vmem>>
    %dma_start3A_4 = arith.constant 0 : i32
    %dma_start3A_5 = arith.constant 0 : i32
    %dma_start3A_6 = tpu.memref_slice %arg2[%dma_start3A_4, %dma_start3A_5] : memref<10240x64xi32, #tpu.memory_space<hbm>> -> memref<10240x64xi32, #tpu.memory_space<hbm>>
    tpu.enqueue_indirect_dma source(%dma_start3A_6 : memref<10240x64xi32, #tpu.memory_space<hbm>>) target(%arg8 : memref<80x64xi32, #tpu.memory_space<vmem>>) offsets(%dma_start3A_3 : memref<80xi32, #tpu.memory_space<vmem>>) semaphore(%arg13 : memref<!tpu.dma_semaphore, #tpu.memory_space<semaphore_mem>>)
    %dma_start3A_7 = arith.constant 0 : i32
    %dma_start3A_8 = tpu.memref_slice %arg7[%dma_start3A_7] : memref<10000xi32, #tpu.memory_space<vmem>> -> memref<80xi32, #tpu.memory_space<vmem>>
    %dma_start3A_9 = arith.constant 0 : i32
    %dma_start3A_10 = arith.constant 0 : i32
    %dma_start3A_11 = tpu.memref_slice %arg2[%dma_start3A_9, %dma_start3A_10] : memref<10240x64xi32, #tpu.memory_space<hbm>> -> memref<10240x64xi32, #tpu.memory_space<hbm>>
    tpu.enqueue_indirect_dma source(%dma_start3A_11 : memref<10240x64xi32, #tpu.memory_space<hbm>>) target(%arg9 : memref<80x64xi32, #tpu.memory_space<vmem>>) offsets(%dma_start3A_8 : memref<80xi32, #tpu.memory_space<vmem>>) semaphore(%arg13 : memref<!tpu.dma_semaphore, #tpu.memory_space<semaphore_mem>>)
    %scan3A = arith.constant 0 : i32
    %scan3A_12 = arith.constant 0 : i32
    %scan3A_13 = arith.constant 62 : i32
    %scan3A_14 = arith.addi %scan3A_12, %scan3A_13 : i32
    %scan3A_15 = arith.constant 1 : i32
    scf.for %scan3A_32 = %scan3A_12 to %scan3A_14 step %scan3A_15  : i32 {
      %mul3A_33 = arith.constant 2 : i32
      %mul3A_34 = arith.muli %mul3A_33, %scan3A_32 : i32
      %add3A_35 = arith.constant 1 : i32
      %add3A_36 = arith.addi %mul3A_34, %add3A_35 : i32
      %mul3A_37 = arith.constant 80 : i32
      %mul3A_38 = arith.muli %add3A_36, %mul3A_37 : i32
      %dma_start3A_39 = tpu.memref_slice %arg6[%mul3A_38] : memref<10000xi32, #tpu.memory_space<vmem>> -> memref<80xi32, #tpu.memory_space<vmem>>
      %dma_start3A_40 = arith.constant 0 : i32
      %dma_start3A_41 = arith.constant 0 : i32
      %dma_start3A_42 = tpu.memref_slice %arg2[%dma_start3A_40, %dma_start3A_41] : memref<10240x64xi32, #tpu.memory_space<hbm>> -> memref<10240x64xi32, #tpu.memory_space<hbm>>
      tpu.enqueue_indirect_dma source(%dma_start3A_42 : memref<10240x64xi32, #tpu.memory_space<hbm>>) target(%arg10 : memref<80x64xi32, #tpu.memory_space<vmem>>) offsets(%dma_start3A_39 : memref<80xi32, #tpu.memory_space<vmem>>) semaphore(%arg14 : memref<!tpu.dma_semaphore, #tpu.memory_space<semaphore_mem>>)
      %dma_start3A_43 = tpu.memref_slice %arg7[%mul3A_38] : memref<10000xi32, #tpu.memory_space<vmem>> -> memref<80xi32, #tpu.memory_space<vmem>>
      %dma_start3A_44 = arith.constant 0 : i32
      %dma_start3A_45 = arith.constant 0 : i32
      %dma_start3A_46 = tpu.memref_slice %arg2[%dma_start3A_44, %dma_start3A_45] : memref<10240x64xi32, #tpu.memory_space<hbm>> -> memref<10240x64xi32, #tpu.memory_space<hbm>>
      tpu.enqueue_indirect_dma source(%dma_start3A_46 : memref<10240x64xi32, #tpu.memory_space<hbm>>) target(%arg11 : memref<80x64xi32, #tpu.memory_space<vmem>>) offsets(%dma_start3A_43 : memref<80xi32, #tpu.memory_space<vmem>>) semaphore(%arg14 : memref<!tpu.dma_semaphore, #tpu.memory_space<semaphore_mem>>)
      %dma_wait3A_47 = arith.constant 0 : i32
      %dma_wait3A_48 = tpu.memref_slice %arg6[%dma_wait3A_47] : memref<10000xi32, #tpu.memory_space<vmem>> -> memref<80xi32, #tpu.memory_space<vmem>>
      %dma_wait3A_49 = arith.constant 0 : i32
      %dma_wait3A_50 = arith.constant 0 : i32
      %dma_wait3A_51 = tpu.memref_slice %arg2[%dma_wait3A_49, %dma_wait3A_50] : memref<10240x64xi32, #tpu.memory_space<hbm>> -> memref<10240x64xi32, #tpu.memory_space<hbm>>
      tpu.wait_indirect_dma semaphore(%arg13 : memref<!tpu.dma_semaphore, #tpu.memory_space<semaphore_mem>>) src(%dma_wait3A_51 : memref<10240x64xi32, #tpu.memory_space<hbm>>) dst(%arg8 : memref<80x64xi32, #tpu.memory_space<vmem>>)
      %dma_wait3A_52 = arith.constant 0 : i32
      %dma_wait3A_53 = tpu.memref_slice %arg7[%dma_wait3A_52] : memref<10000xi32, #tpu.memory_space<vmem>> -> memref<80xi32, #tpu.memory_space<vmem>>
      %dma_wait3A_54 = arith.constant 0 : i32
      %dma_wait3A_55 = arith.constant 0 : i32
      %dma_wait3A_56 = tpu.memref_slice %arg2[%dma_wait3A_54, %dma_wait3A_55] : memref<10240x64xi32, #tpu.memory_space<hbm>> -> memref<10240x64xi32, #tpu.memory_space<hbm>>
      tpu.wait_indirect_dma semaphore(%arg13 : memref<!tpu.dma_semaphore, #tpu.memory_space<semaphore_mem>>) src(%dma_wait3A_56 : memref<10240x64xi32, #tpu.memory_space<hbm>>) dst(%arg9 : memref<80x64xi32, #tpu.memory_space<vmem>>)
      %scan3A_57 = arith.constant 0 : i32
      %scan3A_58 = arith.constant 0 : i32
      %scan3A_59 = arith.constant 5 : i32
      %scan3A_60 = arith.addi %scan3A_58, %scan3A_59 : i32
      %scan3A_61 = arith.constant 1 : i32
      scf.for %scan3A_93 = %scan3A_58 to %scan3A_60 step %scan3A_61  : i32 {
        %mul3A_94 = arith.constant 16 : i32
        %mul3A_95 = arith.muli %scan3A_93, %mul3A_94 : i32
        %add3A_96 = vector.broadcast %mul3A_95 : i32 to vector<16xi32>
        %add3A_97 = arith.addi %add3A_96, %iota3A : vector<16xi32>
        %broadcast_in_dim3A = arith.constant 0.000000e+00 : f32
        %broadcast_in_dim3A_98 = vector.broadcast %broadcast_in_dim3A : f32 to vector<16xf32>
        %scan3A_99 = arith.constant 0 : i32
        %scan3A_100 = arith.constant 2 : i32
        %scan3A_101 = arith.addi %scan3A_99, %scan3A_100 : i32
        %scan3A_102 = arith.constant 1 : i32
        %scan3A_103:3 = scf.for %scan3A_112 = %scan3A_99 to %scan3A_101 step %scan3A_102 iter_args(%scan3A_113 = %iota3A, %scan3A_114 = %broadcast_in_dim3A_98, %scan3A_115 = %broadcast_in_dim3A_98) -> (vector<16xi32>, vector<16xf32>, vector<16xf32>)  : i32 {
          %gather3A = tpu.vector_load_idx %arg8[%add3A_97, %scan3A_113] : memref<80x64xi32, #tpu.memory_space<vmem>>[vector<16xi32>, vector<16xi32>], vector<16xi32>,
          %gather3A_116 = tpu.vector_load_idx %arg9[%add3A_97, %scan3A_113] : memref<80x64xi32, #tpu.memory_space<vmem>>[vector<16xi32>, vector<16xi32>], vector<16xi32>,
          %add3A_117 = arith.constant 1 : i32
          %add3A_118 = vector.broadcast %add3A_117 : i32 to vector<16xi32>
          %add3A_119 = arith.addi %scan3A_113, %add3A_118 : vector<16xi32>
          %and3A = arith.constant 63 : i32
          %and3A_120 = vector.broadcast %and3A : i32 to vector<16xi32>
          %and3A_121 = arith.andi %add3A_119, %and3A_120 : vector<16xi32>
          %gather3A_122 = tpu.vector_load_idx %arg8[%add3A_97, %and3A_121] : memref<80x64xi32, #tpu.memory_space<vmem>>[vector<16xi32>, vector<16xi32>], vector<16xi32>,
          %gather3A_123 = tpu.vector_load_idx %arg9[%add3A_97, %and3A_121] : memref<80x64xi32, #tpu.memory_space<vmem>>[vector<16xi32>, vector<16xi32>], vector<16xi32>,
          %add3A_124 = arith.constant 2 : i32
          %add3A_125 = vector.broadcast %add3A_124 : i32 to vector<16xi32>
          %add3A_126 = arith.addi %scan3A_113, %add3A_125 : vector<16xi32>
          %and3A_127 = arith.constant 63 : i32
          %and3A_128 = vector.broadcast %and3A_127 : i32 to vector<16xi32>
          %and3A_129 = arith.andi %add3A_126, %and3A_128 : vector<16xi32>
          %bitcast3A = vector.bitcast %gather3A : vector<16xi32> to vector<32xbf16>
          %bitcast3A_130 = vector.bitcast %gather3A_116 : vector<16xi32> to vector<32xbf16>
          %mul3A_131 = arith.mulf %bitcast3A, %bitcast3A_130 : vector<32xbf16>
          %bitcast3A_132 = vector.bitcast %gather3A_122 : vector<16xi32> to vector<32xbf16>
          %bitcast3A_133 = vector.bitcast %gather3A_123 : vector<16xi32> to vector<32xbf16>
          %mul3A_134 = arith.mulf %bitcast3A_132, %bitcast3A_133 : vector<32xbf16>
          %add3A_135 = arith.addf %mul3A_131, %mul3A_134 : vector<32xbf16>
          %unpack3A = tpu.unpack_subelements %add3A_135, 0 {pack_format = #tpu.pack_format<interleaved>} : vector<32xbf16> -> vector<16xf32>
          %unpack3A_136 = tpu.unpack_subelements %add3A_135, 1 {pack_format = #tpu.pack_format<interleaved>} : vector<32xbf16> -> vector<16xf32>
          %add3A_137 = arith.addf %scan3A_114, %unpack3A : vector<16xf32>
          %add3A_138 = arith.addf %scan3A_115, %unpack3A_136 : vector<16xf32>
          %gather3A_139 = tpu.vector_load_idx %arg8[%add3A_97, %and3A_129] : memref<80x64xi32, #tpu.memory_space<vmem>>[vector<16xi32>, vector<16xi32>], vector<16xi32>,
          %gather3A_140 = tpu.vector_load_idx %arg9[%add3A_97, %and3A_129] : memref<80x64xi32, #tpu.memory_space<vmem>>[vector<16xi32>, vector<16xi32>], vector<16xi32>,
          %add3A_141 = arith.constant 1 : i32
          %add3A_142 = vector.broadcast %add3A_141 : i32 to vector<16xi32>
          %add3A_143 = arith.addi %and3A_129, %add3A_142 : vector<16xi32>
          %and3A_144 = arith.constant 63 : i32
          %and3A_145 = vector.broadcast %and3A_144 : i32 to vector<16xi32>
          %and3A_146 = arith.andi %add3A_143, %and3A_145 : vector<16xi32>
          %gather3A_147 = tpu.vector_load_idx %arg8[%add3A_97, %and3A_146] : memref<80x64xi32, #tpu.memory_space<vmem>>[vector<16xi32>, vector<16xi32>], vector<16xi32>,
          %gather3A_148 = tpu.vector_load_idx %arg9[%add3A_97, %and3A_146] : memref<80x64xi32, #tpu.memory_space<vmem>>[vector<16xi32>, vector<16xi32>], vector<16xi32>,
          %add3A_149 = arith.constant 2 : i32
          %add3A_150 = vector.broadcast %add3A_149 : i32 to vector<16xi32>
          %add3A_151 = arith.addi %and3A_129, %add3A_150 : vector<16xi32>
          %and3A_152 = arith.constant 63 : i32
          %and3A_153 = vector.broadcast %and3A_152 : i32 to vector<16xi32>
          %and3A_154 = arith.andi %add3A_151, %and3A_153 : vector<16xi32>
          %bitcast3A_155 = vector.bitcast %gather3A_139 : vector<16xi32> to vector<32xbf16>
          %bitcast3A_156 = vector.bitcast %gather3A_140 : vector<16xi32> to vector<32xbf16>
          %mul3A_157 = arith.mulf %bitcast3A_155, %bitcast3A_156 : vector<32xbf16>
          %bitcast3A_158 = vector.bitcast %gather3A_147 : vector<16xi32> to vector<32xbf16>
          %bitcast3A_159 = vector.bitcast %gather3A_148 : vector<16xi32> to vector<32xbf16>
          %mul3A_160 = arith.mulf %bitcast3A_158, %bitcast3A_159 : vector<32xbf16>
          %add3A_161 = arith.addf %mul3A_157, %mul3A_160 : vector<32xbf16>
          %unpack3A_162 = tpu.unpack_subelements %add3A_161, 0 {pack_format = #tpu.pack_format<interleaved>} : vector<32xbf16> -> vector<16xf32>
          %unpack3A_163 = tpu.unpack_subelements %add3A_161, 1 {pack_format = #tpu.pack_format<interleaved>} : vector<32xbf16> -> vector<16xf32>
          %add3A_164 = arith.addf %add3A_137, %unpack3A_162 : vector<16xf32>
          %add3A_165 = arith.addf %add3A_138, %unpack3A_163 : vector<16xf32>
          %gather3A_166 = tpu.vector_load_idx %arg8[%add3A_97, %and3A_154] : memref<80x64xi32, #tpu.memory_space<vmem>>[vector<16xi32>, vector<16xi32>], vector<16xi32>,
          %gather3A_167 = tpu.vector_load_idx %arg9[%add3A_97, %and3A_154] : memref<80x64xi32, #tpu.memory_space<vmem>>[vector<16xi32>, vector<16xi32>], vector<16xi32>,
          %add3A_168 = arith.constant 1 : i32
          %add3A_169 = vector.broadcast %add3A_168 : i32 to vector<16xi32>
          %add3A_170 = arith.addi %and3A_154, %add3A_169 : vector<16xi32>
          %and3A_171 = arith.constant 63 : i32
          %and3A_172 = vector.broadcast %and3A_171 : i32 to vector<16xi32>
          %and3A_173 = arith.andi %add3A_170, %and3A_172 : vector<16xi32>
          %gather3A_174 = tpu.vector_load_idx %arg8[%add3A_97, %and3A_173] : memref<80x64xi32, #tpu.memory_space<vmem>>[vector<16xi32>, vector<16xi32>], vector<16xi32>,
          %gather3A_175 = tpu.vector_load_idx %arg9[%add3A_97, %and3A_173] : memref<80x64xi32, #tpu.memory_space<vmem>>[vector<16xi32>, vector<16xi32>], vector<16xi32>,
          %add3A_176 = arith.constant 2 : i32
          %add3A_177 = vector.broadcast %add3A_176 : i32 to vector<16xi32>
          %add3A_178 = arith.addi %and3A_154, %add3A_177 : vector<16xi32>
          %and3A_179 = arith.constant 63 : i32
          %and3A_180 = vector.broadcast %and3A_179 : i32 to vector<16xi32>
          %and3A_181 = arith.andi %add3A_178, %and3A_180 : vector<16xi32>
          %bitcast3A_182 = vector.bitcast %gather3A_166 : vector<16xi32> to vector<32xbf16>
          %bitcast3A_183 = vector.bitcast %gather3A_167 : vector<16xi32> to vector<32xbf16>
          %mul3A_184 = arith.mulf %bitcast3A_182, %bitcast3A_183 : vector<32xbf16>
          %bitcast3A_185 = vector.bitcast %gather3A_174 : vector<16xi32> to vector<32xbf16>
          %bitcast3A_186 = vector.bitcast %gather3A_175 : vector<16xi32> to vector<32xbf16>
          %mul3A_187 = arith.mulf %bitcast3A_185, %bitcast3A_186 : vector<32xbf16>
          %add3A_188 = arith.addf %mul3A_184, %mul3A_187 : vector<32xbf16>
          %unpack3A_189 = tpu.unpack_subelements %add3A_188, 0 {pack_format = #tpu.pack_format<interleaved>} : vector<32xbf16> -> vector<16xf32>
          %unpack3A_190 = tpu.unpack_subelements %add3A_188, 1 {pack_format = #tpu.pack_format<interleaved>} : vector<32xbf16> -> vector<16xf32>
          %add3A_191 = arith.addf %add3A_164, %unpack3A_189 : vector<16xf32>
          %add3A_192 = arith.addf %add3A_165, %unpack3A_190 : vector<16xf32>
          %gather3A_193 = tpu.vector_load_idx %arg8[%add3A_97, %and3A_181] : memref<80x64xi32, #tpu.memory_space<vmem>>[vector<16xi32>, vector<16xi32>], vector<16xi32>,
          %gather3A_194 = tpu.vector_load_idx %arg9[%add3A_97, %and3A_181] : memref<80x64xi32, #tpu.memory_space<vmem>>[vector<16xi32>, vector<16xi32>], vector<16xi32>,
          %add3A_195 = arith.constant 1 : i32
          %add3A_196 = vector.broadcast %add3A_195 : i32 to vector<16xi32>
          %add3A_197 = arith.addi %and3A_181, %add3A_196 : vector<16xi32>
          %and3A_198 = arith.constant 63 : i32
          %and3A_199 = vector.broadcast %and3A_198 : i32 to vector<16xi32>
          %and3A_200 = arith.andi %add3A_197, %and3A_199 : vector<16xi32>
          %gather3A_201 = tpu.vector_load_idx %arg8[%add3A_97, %and3A_200] : memref<80x64xi32, #tpu.memory_space<vmem>>[vector<16xi32>, vector<16xi32>], vector<16xi32>,
          %gather3A_202 = tpu.vector_load_idx %arg9[%add3A_97, %and3A_200] : memref<80x64xi32, #tpu.memory_space<vmem>>[vector<16xi32>, vector<16xi32>], vector<16xi32>,
          %add3A_203 = arith.constant 2 : i32
          %add3A_204 = vector.broadcast %add3A_203 : i32 to vector<16xi32>
          %add3A_205 = arith.addi %and3A_181, %add3A_204 : vector<16xi32>
          %and3A_206 = arith.constant 63 : i32
          %and3A_207 = vector.broadcast %and3A_206 : i32 to vector<16xi32>
          %and3A_208 = arith.andi %add3A_205, %and3A_207 : vector<16xi32>
          %bitcast3A_209 = vector.bitcast %gather3A_193 : vector<16xi32> to vector<32xbf16>
          %bitcast3A_210 = vector.bitcast %gather3A_194 : vector<16xi32> to vector<32xbf16>
          %mul3A_211 = arith.mulf %bitcast3A_209, %bitcast3A_210 : vector<32xbf16>
          %bitcast3A_212 = vector.bitcast %gather3A_201 : vector<16xi32> to vector<32xbf16>
          %bitcast3A_213 = vector.bitcast %gather3A_202 : vector<16xi32> to vector<32xbf16>
          %mul3A_214 = arith.mulf %bitcast3A_212, %bitcast3A_213 : vector<32xbf16>
          %add3A_215 = arith.addf %mul3A_211, %mul3A_214 : vector<32xbf16>
          %unpack3A_216 = tpu.unpack_subelements %add3A_215, 0 {pack_format = #tpu.pack_format<interleaved>} : vector<32xbf16> -> vector<16xf32>
          %unpack3A_217 = tpu.unpack_subelements %add3A_215, 1 {pack_format = #tpu.pack_format<interleaved>} : vector<32xbf16> -> vector<16xf32>
          %add3A_218 = arith.addf %add3A_191, %unpack3A_216 : vector<16xf32>
          %add3A_219 = arith.addf %add3A_192, %unpack3A_217 : vector<16xf32>
          %gather3A_220 = tpu.vector_load_idx %arg8[%add3A_97, %and3A_208] : memref<80x64xi32, #tpu.memory_space<vmem>>[vector<16xi32>, vector<16xi32>], vector<16xi32>,
          %gather3A_221 = tpu.vector_load_idx %arg9[%add3A_97, %and3A_208] : memref<80x64xi32, #tpu.memory_space<vmem>>[vector<16xi32>, vector<16xi32>], vector<16xi32>,
          %add3A_222 = arith.constant 1 : i32
          %add3A_223 = vector.broadcast %add3A_222 : i32 to vector<16xi32>
          %add3A_224 = arith.addi %and3A_208, %add3A_223 : vector<16xi32>
          %and3A_225 = arith.constant 63 : i32
          %and3A_226 = vector.broadcast %and3A_225 : i32 to vector<16xi32>
          %and3A_227 = arith.andi %add3A_224, %and3A_226 : vector<16xi32>
          %gather3A_228 = tpu.vector_load_idx %arg8[%add3A_97, %and3A_227] : memref<80x64xi32, #tpu.memory_space<vmem>>[vector<16xi32>, vector<16xi32>], vector<16xi32>,
          %gather3A_229 = tpu.vector_load_idx %arg9[%add3A_97, %and3A_227] : memref<80x64xi32, #tpu.memory_space<vmem>>[vector<16xi32>, vector<16xi32>], vector<16xi32>,
          %add3A_230 = arith.constant 2 : i32
          %add3A_231 = vector.broadcast %add3A_230 : i32 to vector<16xi32>
          %add3A_232 = arith.addi %and3A_208, %add3A_231 : vector<16xi32>
          %and3A_233 = arith.constant 63 : i32
          %and3A_234 = vector.broadcast %and3A_233 : i32 to vector<16xi32>
          %and3A_235 = arith.andi %add3A_232, %and3A_234 : vector<16xi32>
          %bitcast3A_236 = vector.bitcast %gather3A_220 : vector<16xi32> to vector<32xbf16>
          %bitcast3A_237 = vector.bitcast %gather3A_221 : vector<16xi32> to vector<32xbf16>
          %mul3A_238 = arith.mulf %bitcast3A_236, %bitcast3A_237 : vector<32xbf16>
          %bitcast3A_239 = vector.bitcast %gather3A_228 : vector<16xi32> to vector<32xbf16>
          %bitcast3A_240 = vector.bitcast %gather3A_229 : vector<16xi32> to vector<32xbf16>
          %mul3A_241 = arith.mulf %bitcast3A_239, %bitcast3A_240 : vector<32xbf16>
          %add3A_242 = arith.addf %mul3A_238, %mul3A_241 : vector<32xbf16>
          %unpack3A_243 = tpu.unpack_subelements %add3A_242, 0 {pack_format = #tpu.pack_format<interleaved>} : vector<32xbf16> -> vector<16xf32>
          %unpack3A_244 = tpu.unpack_subelements %add3A_242, 1 {pack_format = #tpu.pack_format<interleaved>} : vector<32xbf16> -> vector<16xf32>
          %add3A_245 = arith.addf %add3A_218, %unpack3A_243 : vector<16xf32>
          %add3A_246 = arith.addf %add3A_219, %unpack3A_244 : vector<16xf32>
          %gather3A_247 = tpu.vector_load_idx %arg8[%add3A_97, %and3A_235] : memref<80x64xi32, #tpu.memory_space<vmem>>[vector<16xi32>, vector<16xi32>], vector<16xi32>,
          %gather3A_248 = tpu.vector_load_idx %arg9[%add3A_97, %and3A_235] : memref<80x64xi32, #tpu.memory_space<vmem>>[vector<16xi32>, vector<16xi32>], vector<16xi32>,
          %add3A_249 = arith.constant 1 : i32
          %add3A_250 = vector.broadcast %add3A_249 : i32 to vector<16xi32>
          %add3A_251 = arith.addi %and3A_235, %add3A_250 : vector<16xi32>
          %and3A_252 = arith.constant 63 : i32
          %and3A_253 = vector.broadcast %and3A_252 : i32 to vector<16xi32>
          %and3A_254 = arith.andi %add3A_251, %and3A_253 : vector<16xi32>
          %gather3A_255 = tpu.vector_load_idx %arg8[%add3A_97, %and3A_254] : memref<80x64xi32, #tpu.memory_space<vmem>>[vector<16xi32>, vector<16xi32>], vector<16xi32>,
          %gather3A_256 = tpu.vector_load_idx %arg9[%add3A_97, %and3A_254] : memref<80x64xi32, #tpu.memory_space<vmem>>[vector<16xi32>, vector<16xi32>], vector<16xi32>,
          %add3A_257 = arith.constant 2 : i32
          %add3A_258 = vector.broadcast %add3A_257 : i32 to vector<16xi32>
          %add3A_259 = arith.addi %and3A_235, %add3A_258 : vector<16xi32>
          %and3A_260 = arith.constant 63 : i32
          %and3A_261 = vector.broadcast %and3A_260 : i32 to vector<16xi32>
          %and3A_262 = arith.andi %add3A_259, %and3A_261 : vector<16xi32>
          %bitcast3A_263 = vector.bitcast %gather3A_247 : vector<16xi32> to vector<32xbf16>
          %bitcast3A_264 = vector.bitcast %gather3A_248 : vector<16xi32> to vector<32xbf16>
          %mul3A_265 = arith.mulf %bitcast3A_263, %bitcast3A_264 : vector<32xbf16>
          %bitcast3A_266 = vector.bitcast %gather3A_255 : vector<16xi32> to vector<32xbf16>
          %bitcast3A_267 = vector.bitcast %gather3A_256 : vector<16xi32> to vector<32xbf16>
          %mul3A_268 = arith.mulf %bitcast3A_266, %bitcast3A_267 : vector<32xbf16>
          %add3A_269 = arith.addf %mul3A_265, %mul3A_268 : vector<32xbf16>
          %unpack3A_270 = tpu.unpack_subelements %add3A_269, 0 {pack_format = #tpu.pack_format<interleaved>} : vector<32xbf16> -> vector<16xf32>
          %unpack3A_271 = tpu.unpack_subelements %add3A_269, 1 {pack_format = #tpu.pack_format<interleaved>} : vector<32xbf16> -> vector<16xf32>
          %add3A_272 = arith.addf %add3A_245, %unpack3A_270 : vector<16xf32>
          %add3A_273 = arith.addf %add3A_246, %unpack3A_271 : vector<16xf32>
          %gather3A_274 = tpu.vector_load_idx %arg8[%add3A_97, %and3A_262] : memref<80x64xi32, #tpu.memory_space<vmem>>[vector<16xi32>, vector<16xi32>], vector<16xi32>,
          %gather3A_275 = tpu.vector_load_idx %arg9[%add3A_97, %and3A_262] : memref<80x64xi32, #tpu.memory_space<vmem>>[vector<16xi32>, vector<16xi32>], vector<16xi32>,
          %add3A_276 = arith.constant 1 : i32
          %add3A_277 = vector.broadcast %add3A_276 : i32 to vector<16xi32>
          %add3A_278 = arith.addi %and3A_262, %add3A_277 : vector<16xi32>
          %and3A_279 = arith.constant 63 : i32
          %and3A_280 = vector.broadcast %and3A_279 : i32 to vector<16xi32>
          %and3A_281 = arith.andi %add3A_278, %and3A_280 : vector<16xi32>
          %gather3A_282 = tpu.vector_load_idx %arg8[%add3A_97, %and3A_281] : memref<80x64xi32, #tpu.memory_space<vmem>>[vector<16xi32>, vector<16xi32>], vector<16xi32>,
          %gather3A_283 = tpu.vector_load_idx %arg9[%add3A_97, %and3A_281] : memref<80x64xi32, #tpu.memory_space<vmem>>[vector<16xi32>, vector<16xi32>], vector<16xi32>,
          %add3A_284 = arith.constant 2 : i32
          %add3A_285 = vector.broadcast %add3A_284 : i32 to vector<16xi32>
          %add3A_286 = arith.addi %and3A_262, %add3A_285 : vector<16xi32>
          %and3A_287 = arith.constant 63 : i32
          %and3A_288 = vector.broadcast %and3A_287 : i32 to vector<16xi32>
          %and3A_289 = arith.andi %add3A_286, %and3A_288 : vector<16xi32>
          %bitcast3A_290 = vector.bitcast %gather3A_274 : vector<16xi32> to vector<32xbf16>
          %bitcast3A_291 = vector.bitcast %gather3A_275 : vector<16xi32> to vector<32xbf16>
          %mul3A_292 = arith.mulf %bitcast3A_290, %bitcast3A_291 : vector<32xbf16>
          %bitcast3A_293 = vector.bitcast %gather3A_282 : vector<16xi32> to vector<32xbf16>
          %bitcast3A_294 = vector.bitcast %gather3A_283 : vector<16xi32> to vector<32xbf16>
          %mul3A_295 = arith.mulf %bitcast3A_293, %bitcast3A_294 : vector<32xbf16>
          %add3A_296 = arith.addf %mul3A_292, %mul3A_295 : vector<32xbf16>
          %unpack3A_297 = tpu.unpack_subelements %add3A_296, 0 {pack_format = #tpu.pack_format<interleaved>} : vector<32xbf16> -> vector<16xf32>
          %unpack3A_298 = tpu.unpack_subelements %add3A_296, 1 {pack_format = #tpu.pack_format<interleaved>} : vector<32xbf16> -> vector<16xf32>
          %add3A_299 = arith.addf %add3A_272, %unpack3A_297 : vector<16xf32>
          %add3A_300 = arith.addf %add3A_273, %unpack3A_298 : vector<16xf32>
          %gather3A_301 = tpu.vector_load_idx %arg8[%add3A_97, %and3A_289] : memref<80x64xi32, #tpu.memory_space<vmem>>[vector<16xi32>, vector<16xi32>], vector<16xi32>,
          %gather3A_302 = tpu.vector_load_idx %arg9[%add3A_97, %and3A_289] : memref<80x64xi32, #tpu.memory_space<vmem>>[vector<16xi32>, vector<16xi32>], vector<16xi32>,
          %add3A_303 = arith.constant 1 : i32
          %add3A_304 = vector.broadcast %add3A_303 : i32 to vector<16xi32>
          %add3A_305 = arith.addi %and3A_289, %add3A_304 : vector<16xi32>
          %and3A_306 = arith.constant 63 : i32
          %and3A_307 = vector.broadcast %and3A_306 : i32 to vector<16xi32>
          %and3A_308 = arith.andi %add3A_305, %and3A_307 : vector<16xi32>
          %gather3A_309 = tpu.vector_load_idx %arg8[%add3A_97, %and3A_308] : memref<80x64xi32, #tpu.memory_space<vmem>>[vector<16xi32>, vector<16xi32>], vector<16xi32>,
          %gather3A_310 = tpu.vector_load_idx %arg9[%add3A_97, %and3A_308] : memref<80x64xi32, #tpu.memory_space<vmem>>[vector<16xi32>, vector<16xi32>], vector<16xi32>,
          %add3A_311 = arith.constant 2 : i32
          %add3A_312 = vector.broadcast %add3A_311 : i32 to vector<16xi32>
          %add3A_313 = arith.addi %and3A_289, %add3A_312 : vector<16xi32>
          %and3A_314 = arith.constant 63 : i32
          %and3A_315 = vector.broadcast %and3A_314 : i32 to vector<16xi32>
          %and3A_316 = arith.andi %add3A_313, %and3A_315 : vector<16xi32>
          %bitcast3A_317 = vector.bitcast %gather3A_301 : vector<16xi32> to vector<32xbf16>
          %bitcast3A_318 = vector.bitcast %gather3A_302 : vector<16xi32> to vector<32xbf16>
          %mul3A_319 = arith.mulf %bitcast3A_317, %bitcast3A_318 : vector<32xbf16>
          %bitcast3A_320 = vector.bitcast %gather3A_309 : vector<16xi32> to vector<32xbf16>
          %bitcast3A_321 = vector.bitcast %gather3A_310 : vector<16xi32> to vector<32xbf16>
          %mul3A_322 = arith.mulf %bitcast3A_320, %bitcast3A_321 : vector<32xbf16>
          %add3A_323 = arith.addf %mul3A_319, %mul3A_322 : vector<32xbf16>
          %unpack3A_324 = tpu.unpack_subelements %add3A_323, 0 {pack_format = #tpu.pack_format<interleaved>} : vector<32xbf16> -> vector<16xf32>
          %unpack3A_325 = tpu.unpack_subelements %add3A_323, 1 {pack_format = #tpu.pack_format<interleaved>} : vector<32xbf16> -> vector<16xf32>
          %add3A_326 = arith.addf %add3A_299, %unpack3A_324 : vector<16xf32>
          %add3A_327 = arith.addf %add3A_300, %unpack3A_325 : vector<16xf32>
          %gather3A_328 = tpu.vector_load_idx %arg8[%add3A_97, %and3A_316] : memref<80x64xi32, #tpu.memory_space<vmem>>[vector<16xi32>, vector<16xi32>], vector<16xi32>,
          %gather3A_329 = tpu.vector_load_idx %arg9[%add3A_97, %and3A_316] : memref<80x64xi32, #tpu.memory_space<vmem>>[vector<16xi32>, vector<16xi32>], vector<16xi32>,
          %add3A_330 = arith.constant 1 : i32
          %add3A_331 = vector.broadcast %add3A_330 : i32 to vector<16xi32>
          %add3A_332 = arith.addi %and3A_316, %add3A_331 : vector<16xi32>
          %and3A_333 = arith.constant 63 : i32
          %and3A_334 = vector.broadcast %and3A_333 : i32 to vector<16xi32>
          %and3A_335 = arith.andi %add3A_332, %and3A_334 : vector<16xi32>
          %gather3A_336 = tpu.vector_load_idx %arg8[%add3A_97, %and3A_335] : memref<80x64xi32, #tpu.memory_space<vmem>>[vector<16xi32>, vector<16xi32>], vector<16xi32>,
          %gather3A_337 = tpu.vector_load_idx %arg9[%add3A_97, %and3A_335] : memref<80x64xi32, #tpu.memory_space<vmem>>[vector<16xi32>, vector<16xi32>], vector<16xi32>,
          %add3A_338 = arith.constant 2 : i32
          %add3A_339 = vector.broadcast %add3A_338 : i32 to vector<16xi32>
          %add3A_340 = arith.addi %and3A_316, %add3A_339 : vector<16xi32>
          %and3A_341 = arith.constant 63 : i32
          %and3A_342 = vector.broadcast %and3A_341 : i32 to vector<16xi32>
          %and3A_343 = arith.andi %add3A_340, %and3A_342 : vector<16xi32>
          %bitcast3A_344 = vector.bitcast %gather3A_328 : vector<16xi32> to vector<32xbf16>
          %bitcast3A_345 = vector.bitcast %gather3A_329 : vector<16xi32> to vector<32xbf16>
          %mul3A_346 = arith.mulf %bitcast3A_344, %bitcast3A_345 : vector<32xbf16>
          %bitcast3A_347 = vector.bitcast %gather3A_336 : vector<16xi32> to vector<32xbf16>
          %bitcast3A_348 = vector.bitcast %gather3A_337 : vector<16xi32> to vector<32xbf16>
          %mul3A_349 = arith.mulf %bitcast3A_347, %bitcast3A_348 : vector<32xbf16>
          %add3A_350 = arith.addf %mul3A_346, %mul3A_349 : vector<32xbf16>
          %unpack3A_351 = tpu.unpack_subelements %add3A_350, 0 {pack_format = #tpu.pack_format<interleaved>} : vector<32xbf16> -> vector<16xf32>
          %unpack3A_352 = tpu.unpack_subelements %add3A_350, 1 {pack_format = #tpu.pack_format<interleaved>} : vector<32xbf16> -> vector<16xf32>
          %add3A_353 = arith.addf %add3A_326, %unpack3A_351 : vector<16xf32>
          %add3A_354 = arith.addf %add3A_327, %unpack3A_352 : vector<16xf32>
          %gather3A_355 = tpu.vector_load_idx %arg8[%add3A_97, %and3A_343] : memref<80x64xi32, #tpu.memory_space<vmem>>[vector<16xi32>, vector<16xi32>], vector<16xi32>,
          %gather3A_356 = tpu.vector_load_idx %arg9[%add3A_97, %and3A_343] : memref<80x64xi32, #tpu.memory_space<vmem>>[vector<16xi32>, vector<16xi32>], vector<16xi32>,
          %add3A_357 = arith.constant 1 : i32
          %add3A_358 = vector.broadcast %add3A_357 : i32 to vector<16xi32>
          %add3A_359 = arith.addi %and3A_343, %add3A_358 : vector<16xi32>
          %and3A_360 = arith.constant 63 : i32
          %and3A_361 = vector.broadcast %and3A_360 : i32 to vector<16xi32>
          %and3A_362 = arith.andi %add3A_359, %and3A_361 : vector<16xi32>
          %gather3A_363 = tpu.vector_load_idx %arg8[%add3A_97, %and3A_362] : memref<80x64xi32, #tpu.memory_space<vmem>>[vector<16xi32>, vector<16xi32>], vector<16xi32>,
          %gather3A_364 = tpu.vector_load_idx %arg9[%add3A_97, %and3A_362] : memref<80x64xi32, #tpu.memory_space<vmem>>[vector<16xi32>, vector<16xi32>], vector<16xi32>,
          %add3A_365 = arith.constant 2 : i32
          %add3A_366 = vector.broadcast %add3A_365 : i32 to vector<16xi32>
          %add3A_367 = arith.addi %and3A_343, %add3A_366 : vector<16xi32>
          %and3A_368 = arith.constant 63 : i32
          %and3A_369 = vector.broadcast %and3A_368 : i32 to vector<16xi32>
          %and3A_370 = arith.andi %add3A_367, %and3A_369 : vector<16xi32>
          %bitcast3A_371 = vector.bitcast %gather3A_355 : vector<16xi32> to vector<32xbf16>
          %bitcast3A_372 = vector.bitcast %gather3A_356 : vector<16xi32> to vector<32xbf16>
          %mul3A_373 = arith.mulf %bitcast3A_371, %bitcast3A_372 : vector<32xbf16>
          %bitcast3A_374 = vector.bitcast %gather3A_363 : vector<16xi32> to vector<32xbf16>
          %bitcast3A_375 = vector.bitcast %gather3A_364 : vector<16xi32> to vector<32xbf16>
          %mul3A_376 = arith.mulf %bitcast3A_374, %bitcast3A_375 : vector<32xbf16>
          %add3A_377 = arith.addf %mul3A_373, %mul3A_376 : vector<32xbf16>
          %unpack3A_378 = tpu.unpack_subelements %add3A_377, 0 {pack_format = #tpu.pack_format<interleaved>} : vector<32xbf16> -> vector<16xf32>
          %unpack3A_379 = tpu.unpack_subelements %add3A_377, 1 {pack_format = #tpu.pack_format<interleaved>} : vector<32xbf16> -> vector<16xf32>
          %add3A_380 = arith.addf %add3A_353, %unpack3A_378 : vector<16xf32>
          %add3A_381 = arith.addf %add3A_354, %unpack3A_379 : vector<16xf32>
          %gather3A_382 = tpu.vector_load_idx %arg8[%add3A_97, %and3A_370] : memref<80x64xi32, #tpu.memory_space<vmem>>[vector<16xi32>, vector<16xi32>], vector<16xi32>,
          %gather3A_383 = tpu.vector_load_idx %arg9[%add3A_97, %and3A_370] : memref<80x64xi32, #tpu.memory_space<vmem>>[vector<16xi32>, vector<16xi32>], vector<16xi32>,
          %add3A_384 = arith.constant 1 : i32
          %add3A_385 = vector.broadcast %add3A_384 : i32 to vector<16xi32>
          %add3A_386 = arith.addi %and3A_370, %add3A_385 : vector<16xi32>
          %and3A_387 = arith.constant 63 : i32
          %and3A_388 = vector.broadcast %and3A_387 : i32 to vector<16xi32>
          %and3A_389 = arith.andi %add3A_386, %and3A_388 : vector<16xi32>
          %gather3A_390 = tpu.vector_load_idx %arg8[%add3A_97, %and3A_389] : memref<80x64xi32, #tpu.memory_space<vmem>>[vector<16xi32>, vector<16xi32>], vector<16xi32>,
          %gather3A_391 = tpu.vector_load_idx %arg9[%add3A_97, %and3A_389] : memref<80x64xi32, #tpu.memory_space<vmem>>[vector<16xi32>, vector<16xi32>], vector<16xi32>,
          %add3A_392 = arith.constant 2 : i32
          %add3A_393 = vector.broadcast %add3A_392 : i32 to vector<16xi32>
          %add3A_394 = arith.addi %and3A_370, %add3A_393 : vector<16xi32>
          %and3A_395 = arith.constant 63 : i32
          %and3A_396 = vector.broadcast %and3A_395 : i32 to vector<16xi32>
          %and3A_397 = arith.andi %add3A_394, %and3A_396 : vector<16xi32>
          %bitcast3A_398 = vector.bitcast %gather3A_382 : vector<16xi32> to vector<32xbf16>
          %bitcast3A_399 = vector.bitcast %gather3A_383 : vector<16xi32> to vector<32xbf16>
          %mul3A_400 = arith.mulf %bitcast3A_398, %bitcast3A_399 : vector<32xbf16>
          %bitcast3A_401 = vector.bitcast %gather3A_390 : vector<16xi32> to vector<32xbf16>
          %bitcast3A_402 = vector.bitcast %gather3A_391 : vector<16xi32> to vector<32xbf16>
          %mul3A_403 = arith.mulf %bitcast3A_401, %bitcast3A_402 : vector<32xbf16>
          %add3A_404 = arith.addf %mul3A_400, %mul3A_403 : vector<32xbf16>
          %unpack3A_405 = tpu.unpack_subelements %add3A_404, 0 {pack_format = #tpu.pack_format<interleaved>} : vector<32xbf16> -> vector<16xf32>
          %unpack3A_406 = tpu.unpack_subelements %add3A_404, 1 {pack_format = #tpu.pack_format<interleaved>} : vector<32xbf16> -> vector<16xf32>
          %add3A_407 = arith.addf %add3A_380, %unpack3A_405 : vector<16xf32>
          %add3A_408 = arith.addf %add3A_381, %unpack3A_406 : vector<16xf32>
          %gather3A_409 = tpu.vector_load_idx %arg8[%add3A_97, %and3A_397] : memref<80x64xi32, #tpu.memory_space<vmem>>[vector<16xi32>, vector<16xi32>], vector<16xi32>,
          %gather3A_410 = tpu.vector_load_idx %arg9[%add3A_97, %and3A_397] : memref<80x64xi32, #tpu.memory_space<vmem>>[vector<16xi32>, vector<16xi32>], vector<16xi32>,
          %add3A_411 = arith.constant 1 : i32
          %add3A_412 = vector.broadcast %add3A_411 : i32 to vector<16xi32>
          %add3A_413 = arith.addi %and3A_397, %add3A_412 : vector<16xi32>
          %and3A_414 = arith.constant 63 : i32
          %and3A_415 = vector.broadcast %and3A_414 : i32 to vector<16xi32>
          %and3A_416 = arith.andi %add3A_413, %and3A_415 : vector<16xi32>
          %gather3A_417 = tpu.vector_load_idx %arg8[%add3A_97, %and3A_416] : memref<80x64xi32, #tpu.memory_space<vmem>>[vector<16xi32>, vector<16xi32>], vector<16xi32>,
          %gather3A_418 = tpu.vector_load_idx %arg9[%add3A_97, %and3A_416] : memref<80x64xi32, #tpu.memory_space<vmem>>[vector<16xi32>, vector<16xi32>], vector<16xi32>,
          %add3A_419 = arith.constant 2 : i32
          %add3A_420 = vector.broadcast %add3A_419 : i32 to vector<16xi32>
          %add3A_421 = arith.addi %and3A_397, %add3A_420 : vector<16xi32>
          %and3A_422 = arith.constant 63 : i32
          %and3A_423 = vector.broadcast %and3A_422 : i32 to vector<16xi32>
          %and3A_424 = arith.andi %add3A_421, %and3A_423 : vector<16xi32>
          %bitcast3A_425 = vector.bitcast %gather3A_409 : vector<16xi32> to vector<32xbf16>
          %bitcast3A_426 = vector.bitcast %gather3A_410 : vector<16xi32> to vector<32xbf16>
          %mul3A_427 = arith.mulf %bitcast3A_425, %bitcast3A_426 : vector<32xbf16>
          %bitcast3A_428 = vector.bitcast %gather3A_417 : vector<16xi32> to vector<32xbf16>
          %bitcast3A_429 = vector.bitcast %gather3A_418 : vector<16xi32> to vector<32xbf16>
          %mul3A_430 = arith.mulf %bitcast3A_428, %bitcast3A_429 : vector<32xbf16>
          %add3A_431 = arith.addf %mul3A_427, %mul3A_430 : vector<32xbf16>
          %unpack3A_432 = tpu.unpack_subelements %add3A_431, 0 {pack_format = #tpu.pack_format<interleaved>} : vector<32xbf16> -> vector<16xf32>
          %unpack3A_433 = tpu.unpack_subelements %add3A_431, 1 {pack_format = #tpu.pack_format<interleaved>} : vector<32xbf16> -> vector<16xf32>
          %add3A_434 = arith.addf %add3A_407, %unpack3A_432 : vector<16xf32>
          %add3A_435 = arith.addf %add3A_408, %unpack3A_433 : vector<16xf32>
          %gather3A_436 = tpu.vector_load_idx %arg8[%add3A_97, %and3A_424] : memref<80x64xi32, #tpu.memory_space<vmem>>[vector<16xi32>, vector<16xi32>], vector<16xi32>,
          %gather3A_437 = tpu.vector_load_idx %arg9[%add3A_97, %and3A_424] : memref<80x64xi32, #tpu.memory_space<vmem>>[vector<16xi32>, vector<16xi32>], vector<16xi32>,
          %add3A_438 = arith.constant 1 : i32
          %add3A_439 = vector.broadcast %add3A_438 : i32 to vector<16xi32>
          %add3A_440 = arith.addi %and3A_424, %add3A_439 : vector<16xi32>
          %and3A_441 = arith.constant 63 : i32
          %and3A_442 = vector.broadcast %and3A_441 : i32 to vector<16xi32>
          %and3A_443 = arith.andi %add3A_440, %and3A_442 : vector<16xi32>
          %gather3A_444 = tpu.vector_load_idx %arg8[%add3A_97, %and3A_443] : memref<80x64xi32, #tpu.memory_space<vmem>>[vector<16xi32>, vector<16xi32>], vector<16xi32>,
          %gather3A_445 = tpu.vector_load_idx %arg9[%add3A_97, %and3A_443] : memref<80x64xi32, #tpu.memory_space<vmem>>[vector<16xi32>, vector<16xi32>], vector<16xi32>,
          %add3A_446 = arith.constant 2 : i32
          %add3A_447 = vector.broadcast %add3A_446 : i32 to vector<16xi32>
          %add3A_448 = arith.addi %and3A_424, %add3A_447 : vector<16xi32>
          %and3A_449 = arith.constant 63 : i32
          %and3A_450 = vector.broadcast %and3A_449 : i32 to vector<16xi32>
          %and3A_451 = arith.andi %add3A_448, %and3A_450 : vector<16xi32>
          %bitcast3A_452 = vector.bitcast %gather3A_436 : vector<16xi32> to vector<32xbf16>
          %bitcast3A_453 = vector.bitcast %gather3A_437 : vector<16xi32> to vector<32xbf16>
          %mul3A_454 = arith.mulf %bitcast3A_452, %bitcast3A_453 : vector<32xbf16>
          %bitcast3A_455 = vector.bitcast %gather3A_444 : vector<16xi32> to vector<32xbf16>
          %bitcast3A_456 = vector.bitcast %gather3A_445 : vector<16xi32> to vector<32xbf16>
          %mul3A_457 = arith.mulf %bitcast3A_455, %bitcast3A_456 : vector<32xbf16>
          %add3A_458 = arith.addf %mul3A_454, %mul3A_457 : vector<32xbf16>
          %unpack3A_459 = tpu.unpack_subelements %add3A_458, 0 {pack_format = #tpu.pack_format<interleaved>} : vector<32xbf16> -> vector<16xf32>
          %unpack3A_460 = tpu.unpack_subelements %add3A_458, 1 {pack_format = #tpu.pack_format<interleaved>} : vector<32xbf16> -> vector<16xf32>
          %add3A_461 = arith.addf %add3A_434, %unpack3A_459 : vector<16xf32>
          %add3A_462 = arith.addf %add3A_435, %unpack3A_460 : vector<16xf32>
          %gather3A_463 = tpu.vector_load_idx %arg8[%add3A_97, %and3A_451] : memref<80x64xi32, #tpu.memory_space<vmem>>[vector<16xi32>, vector<16xi32>], vector<16xi32>,
          %gather3A_464 = tpu.vector_load_idx %arg9[%add3A_97, %and3A_451] : memref<80x64xi32, #tpu.memory_space<vmem>>[vector<16xi32>, vector<16xi32>], vector<16xi32>,
          %add3A_465 = arith.constant 1 : i32
          %add3A_466 = vector.broadcast %add3A_465 : i32 to vector<16xi32>
          %add3A_467 = arith.addi %and3A_451, %add3A_466 : vector<16xi32>
          %and3A_468 = arith.constant 63 : i32
          %and3A_469 = vector.broadcast %and3A_468 : i32 to vector<16xi32>
          %and3A_470 = arith.andi %add3A_467, %and3A_469 : vector<16xi32>
          %gather3A_471 = tpu.vector_load_idx %arg8[%add3A_97, %and3A_470] : memref<80x64xi32, #tpu.memory_space<vmem>>[vector<16xi32>, vector<16xi32>], vector<16xi32>,
          %gather3A_472 = tpu.vector_load_idx %arg9[%add3A_97, %and3A_470] : memref<80x64xi32, #tpu.memory_space<vmem>>[vector<16xi32>, vector<16xi32>], vector<16xi32>,
          %add3A_473 = arith.constant 2 : i32
          %add3A_474 = vector.broadcast %add3A_473 : i32 to vector<16xi32>
          %add3A_475 = arith.addi %and3A_451, %add3A_474 : vector<16xi32>
          %and3A_476 = arith.constant 63 : i32
          %and3A_477 = vector.broadcast %and3A_476 : i32 to vector<16xi32>
          %and3A_478 = arith.andi %add3A_475, %and3A_477 : vector<16xi32>
          %bitcast3A_479 = vector.bitcast %gather3A_463 : vector<16xi32> to vector<32xbf16>
          %bitcast3A_480 = vector.bitcast %gather3A_464 : vector<16xi32> to vector<32xbf16>
          %mul3A_481 = arith.mulf %bitcast3A_479, %bitcast3A_480 : vector<32xbf16>
          %bitcast3A_482 = vector.bitcast %gather3A_471 : vector<16xi32> to vector<32xbf16>
          %bitcast3A_483 = vector.bitcast %gather3A_472 : vector<16xi32> to vector<32xbf16>
          %mul3A_484 = arith.mulf %bitcast3A_482, %bitcast3A_483 : vector<32xbf16>
          %add3A_485 = arith.addf %mul3A_481, %mul3A_484 : vector<32xbf16>
          %unpack3A_486 = tpu.unpack_subelements %add3A_485, 0 {pack_format = #tpu.pack_format<interleaved>} : vector<32xbf16> -> vector<16xf32>
          %unpack3A_487 = tpu.unpack_subelements %add3A_485, 1 {pack_format = #tpu.pack_format<interleaved>} : vector<32xbf16> -> vector<16xf32>
          %add3A_488 = arith.addf %add3A_461, %unpack3A_486 : vector<16xf32>
          %add3A_489 = arith.addf %add3A_462, %unpack3A_487 : vector<16xf32>
          %gather3A_490 = tpu.vector_load_idx %arg8[%add3A_97, %and3A_478] : memref<80x64xi32, #tpu.memory_space<vmem>>[vector<16xi32>, vector<16xi32>], vector<16xi32>,
          %gather3A_491 = tpu.vector_load_idx %arg9[%add3A_97, %and3A_478] : memref<80x64xi32, #tpu.memory_space<vmem>>[vector<16xi32>, vector<16xi32>], vector<16xi32>,
          %add3A_492 = arith.constant 1 : i32
          %add3A_493 = vector.broadcast %add3A_492 : i32 to vector<16xi32>
          %add3A_494 = arith.addi %and3A_478, %add3A_493 : vector<16xi32>
          %and3A_495 = arith.constant 63 : i32
          %and3A_496 = vector.broadcast %and3A_495 : i32 to vector<16xi32>
          %and3A_497 = arith.andi %add3A_494, %and3A_496 : vector<16xi32>
          %gather3A_498 = tpu.vector_load_idx %arg8[%add3A_97, %and3A_497] : memref<80x64xi32, #tpu.memory_space<vmem>>[vector<16xi32>, vector<16xi32>], vector<16xi32>,
          %gather3A_499 = tpu.vector_load_idx %arg9[%add3A_97, %and3A_497] : memref<80x64xi32, #tpu.memory_space<vmem>>[vector<16xi32>, vector<16xi32>], vector<16xi32>,
          %add3A_500 = arith.constant 2 : i32
          %add3A_501 = vector.broadcast %add3A_500 : i32 to vector<16xi32>
          %add3A_502 = arith.addi %and3A_478, %add3A_501 : vector<16xi32>
          %and3A_503 = arith.constant 63 : i32
          %and3A_504 = vector.broadcast %and3A_503 : i32 to vector<16xi32>
          %and3A_505 = arith.andi %add3A_502, %and3A_504 : vector<16xi32>
          %bitcast3A_506 = vector.bitcast %gather3A_490 : vector<16xi32> to vector<32xbf16>
          %bitcast3A_507 = vector.bitcast %gather3A_491 : vector<16xi32> to vector<32xbf16>
          %mul3A_508 = arith.mulf %bitcast3A_506, %bitcast3A_507 : vector<32xbf16>
          %bitcast3A_509 = vector.bitcast %gather3A_498 : vector<16xi32> to vector<32xbf16>
          %bitcast3A_510 = vector.bitcast %gather3A_499 : vector<16xi32> to vector<32xbf16>
          %mul3A_511 = arith.mulf %bitcast3A_509, %bitcast3A_510 : vector<32xbf16>
          %add3A_512 = arith.addf %mul3A_508, %mul3A_511 : vector<32xbf16>
          %unpack3A_513 = tpu.unpack_subelements %add3A_512, 0 {pack_format = #tpu.pack_format<interleaved>} : vector<32xbf16> -> vector<16xf32>
          %unpack3A_514 = tpu.unpack_subelements %add3A_512, 1 {pack_format = #tpu.pack_format<interleaved>} : vector<32xbf16> -> vector<16xf32>
          %add3A_515 = arith.addf %add3A_488, %unpack3A_513 : vector<16xf32>
          %add3A_516 = arith.addf %add3A_489, %unpack3A_514 : vector<16xf32>
          %gather3A_517 = tpu.vector_load_idx %arg8[%add3A_97, %and3A_505] : memref<80x64xi32, #tpu.memory_space<vmem>>[vector<16xi32>, vector<16xi32>], vector<16xi32>,
          %gather3A_518 = tpu.vector_load_idx %arg9[%add3A_97, %and3A_505] : memref<80x64xi32, #tpu.memory_space<vmem>>[vector<16xi32>, vector<16xi32>], vector<16xi32>,
          %add3A_519 = arith.constant 1 : i32
          %add3A_520 = vector.broadcast %add3A_519 : i32 to vector<16xi32>
          %add3A_521 = arith.addi %and3A_505, %add3A_520 : vector<16xi32>
          %and3A_522 = arith.constant 63 : i32
          %and3A_523 = vector.broadcast %and3A_522 : i32 to vector<16xi32>
          %and3A_524 = arith.andi %add3A_521, %and3A_523 : vector<16xi32>
          %gather3A_525 = tpu.vector_load_idx %arg8[%add3A_97, %and3A_524] : memref<80x64xi32, #tpu.memory_space<vmem>>[vector<16xi32>, vector<16xi32>], vector<16xi32>,
          %gather3A_526 = tpu.vector_load_idx %arg9[%add3A_97, %and3A_524] : memref<80x64xi32, #tpu.memory_space<vmem>>[vector<16xi32>, vector<16xi32>], vector<16xi32>,
          %add3A_527 = arith.constant 2 : i32
          %add3A_528 = vector.broadcast %add3A_527 : i32 to vector<16xi32>
          %add3A_529 = arith.addi %and3A_505, %add3A_528 : vector<16xi32>
          %and3A_530 = arith.constant 63 : i32
          %and3A_531 = vector.broadcast %and3A_530 : i32 to vector<16xi32>
          %and3A_532 = arith.andi %add3A_529, %and3A_531 : vector<16xi32>
          %bitcast3A_533 = vector.bitcast %gather3A_517 : vector<16xi32> to vector<32xbf16>
          %bitcast3A_534 = vector.bitcast %gather3A_518 : vector<16xi32> to vector<32xbf16>
          %mul3A_535 = arith.mulf %bitcast3A_533, %bitcast3A_534 : vector<32xbf16>
          %bitcast3A_536 = vector.bitcast %gather3A_525 : vector<16xi32> to vector<32xbf16>
          %bitcast3A_537 = vector.bitcast %gather3A_526 : vector<16xi32> to vector<32xbf16>
          %mul3A_538 = arith.mulf %bitcast3A_536, %bitcast3A_537 : vector<32xbf16>
          %add3A_539 = arith.addf %mul3A_535, %mul3A_538 : vector<32xbf16>
          %unpack3A_540 = tpu.unpack_subelements %add3A_539, 0 {pack_format = #tpu.pack_format<interleaved>} : vector<32xbf16> -> vector<16xf32>
          %unpack3A_541 = tpu.unpack_subelements %add3A_539, 1 {pack_format = #tpu.pack_format<interleaved>} : vector<32xbf16> -> vector<16xf32>
          %add3A_542 = arith.addf %add3A_515, %unpack3A_540 : vector<16xf32>
          %add3A_543 = arith.addf %add3A_516, %unpack3A_541 : vector<16xf32>
          scf.yield %and3A_532, %add3A_542, %add3A_543 : vector<16xi32>, vector<16xf32>, vector<16xf32>
        }
        %scan3A_104 = arith.constant 2 : i32
        %add3A_105 = arith.addf %scan3A_103#1, %scan3A_103#2 : vector<16xf32>
        %mul3A_106 = arith.constant 80 : i32
        %mul3A_107 = arith.muli %mul3A_34, %mul3A_106 : i32
        %mul3A_108 = arith.constant 16 : i32
        %mul3A_109 = arith.muli %scan3A_93, %mul3A_108 : i32
        %add3A_110 = arith.addi %mul3A_107, %mul3A_109 : i32
        %swap3A = arith.index_cast %add3A_110 : i32 to index
        %swap3A_111 = tpu.vector_load %arg12[%swap3A] {strides = array<i32>} : memref<10000xf32, #tpu.memory_space<vmem>>, vector<16xf32>,
        tpu.vector_store %arg12[%swap3A], %add3A_105 {strides = array<i32>} : memref<10000xf32, #tpu.memory_space<vmem>>, vector<16xf32>,
      }
      %scan3A_62 = arith.constant 5 : i32
      %add3A_63 = arith.constant 2 : i32
      %add3A_64 = arith.addi %mul3A_34, %add3A_63 : i32
      %mul3A_65 = arith.constant 80 : i32
      %mul3A_66 = arith.muli %add3A_64, %mul3A_65 : i32
      %dma_start3A_67 = tpu.memref_slice %arg6[%mul3A_66] : memref<10000xi32, #tpu.memory_space<vmem>> -> memref<80xi32, #tpu.memory_space<vmem>>
      %dma_start3A_68 = arith.constant 0 : i32
      %dma_start3A_69 = arith.constant 0 : i32
      %dma_start3A_70 = tpu.memref_slice %arg2[%dma_start3A_68, %dma_start3A_69] : memref<10240x64xi32, #tpu.memory_space<hbm>> -> memref<10240x64xi32, #tpu.memory_space<hbm>>
      tpu.enqueue_indirect_dma source(%dma_start3A_70 : memref<10240x64xi32, #tpu.memory_space<hbm>>) target(%arg8 : memref<80x64xi32, #tpu.memory_space<vmem>>) offsets(%dma_start3A_67 : memref<80xi32, #tpu.memory_space<vmem>>) semaphore(%arg13 : memref<!tpu.dma_semaphore, #tpu.memory_space<semaphore_mem>>)
      %dma_start3A_71 = tpu.memref_slice %arg7[%mul3A_66] : memref<10000xi32, #tpu.memory_space<vmem>> -> memref<80xi32, #tpu.memory_space<vmem>>
      %dma_start3A_72 = arith.constant 0 : i32
      %dma_start3A_73 = arith.constant 0 : i32
      %dma_start3A_74 = tpu.memref_slice %arg2[%dma_start3A_72, %dma_start3A_73] : memref<10240x64xi32, #tpu.memory_space<hbm>> -> memref<10240x64xi32, #tpu.memory_space<hbm>>
      tpu.enqueue_indirect_dma source(%dma_start3A_74 : memref<10240x64xi32, #tpu.memory_space<hbm>>) target(%arg9 : memref<80x64xi32, #tpu.memory_space<vmem>>) offsets(%dma_start3A_71 : memref<80xi32, #tpu.memory_space<vmem>>) semaphore(%arg13 : memref<!tpu.dma_semaphore, #tpu.memory_space<semaphore_mem>>)
      %dma_wait3A_75 = arith.constant 0 : i32
      %dma_wait3A_76 = tpu.memref_slice %arg6[%dma_wait3A_75] : memref<10000xi32, #tpu.memory_space<vmem>> -> memref<80xi32, #tpu.memory_space<vmem>>
      %dma_wait3A_77 = arith.constant 0 : i32
      %dma_wait3A_78 = arith.constant 0 : i32
      %dma_wait3A_79 = tpu.memref_slice %arg2[%dma_wait3A_77, %dma_wait3A_78] : memref<10240x64xi32, #tpu.memory_space<hbm>> -> memref<10240x64xi32, #tpu.memory_space<hbm>>
      tpu.wait_indirect_dma semaphore(%arg14 : memref<!tpu.dma_semaphore, #tpu.memory_space<semaphore_mem>>) src(%dma_wait3A_79 : memref<10240x64xi32, #tpu.memory_space<hbm>>) dst(%arg10 : memref<80x64xi32, #tpu.memory_space<vmem>>)
      %dma_wait3A_80 = arith.constant 0 : i32
      %dma_wait3A_81 = tpu.memref_slice %arg7[%dma_wait3A_80] : memref<10000xi32, #tpu.memory_space<vmem>> -> memref<80xi32, #tpu.memory_space<vmem>>
      %dma_wait3A_82 = arith.constant 0 : i32
      %dma_wait3A_83 = arith.constant 0 : i32
      %dma_wait3A_84 = tpu.memref_slice %arg2[%dma_wait3A_82, %dma_wait3A_83] : memref<10240x64xi32, #tpu.memory_space<hbm>> -> memref<10240x64xi32, #tpu.memory_space<hbm>>
      tpu.wait_indirect_dma semaphore(%arg14 : memref<!tpu.dma_semaphore, #tpu.memory_space<semaphore_mem>>) src(%dma_wait3A_84 : memref<10240x64xi32, #tpu.memory_space<hbm>>) dst(%arg11 : memref<80x64xi32, #tpu.memory_space<vmem>>)
      %add3A_85 = arith.constant 1 : i32
      %add3A_86 = arith.addi %mul3A_34, %add3A_85 : i32
      %scan3A_87 = arith.constant 0 : i32
      %scan3A_88 = arith.constant 0 : i32
      %scan3A_89 = arith.constant 5 : i32
      %scan3A_90 = arith.addi %scan3A_88, %scan3A_89 : i32
      %scan3A_91 = arith.constant 1 : i32
      scf.for %scan3A_93 = %scan3A_88 to %scan3A_90 step %scan3A_91  : i32 {
        %mul3A_94 = arith.constant 16 : i32
        %mul3A_95 = arith.muli %scan3A_93, %mul3A_94 : i32
        %add3A_96 = vector.broadcast %mul3A_95 : i32 to vector<16xi32>
        %add3A_97 = arith.addi %add3A_96, %iota3A : vector<16xi32>
        %broadcast_in_dim3A = arith.constant 0.000000e+00 : f32
        %broadcast_in_dim3A_98 = vector.broadcast %broadcast_in_dim3A : f32 to vector<16xf32>
        %scan3A_99 = arith.constant 0 : i32
        %scan3A_100 = arith.constant 2 : i32
        %scan3A_101 = arith.addi %scan3A_99, %scan3A_100 : i32
        %scan3A_102 = arith.constant 1 : i32
        %scan3A_103:3 = scf.for %scan3A_112 = %scan3A_99 to %scan3A_101 step %scan3A_102 iter_args(%scan3A_113 = %iota3A, %scan3A_114 = %broadcast_in_dim3A_98, %scan3A_115 = %broadcast_in_dim3A_98) -> (vector<16xi32>, vector<16xf32>, vector<16xf32>)  : i32 {
          %gather3A = tpu.vector_load_idx %arg10[%add3A_97, %scan3A_113] : memref<80x64xi32, #tpu.memory_space<vmem>>[vector<16xi32>, vector<16xi32>], vector<16xi32>,
          %gather3A_116 = tpu.vector_load_idx %arg11[%add3A_97, %scan3A_113] : memref<80x64xi32, #tpu.memory_space<vmem>>[vector<16xi32>, vector<16xi32>], vector<16xi32>,
          %add3A_117 = arith.constant 1 : i32
          %add3A_118 = vector.broadcast %add3A_117 : i32 to vector<16xi32>
          %add3A_119 = arith.addi %scan3A_113, %add3A_118 : vector<16xi32>
          %and3A = arith.constant 63 : i32
          %and3A_120 = vector.broadcast %and3A : i32 to vector<16xi32>
          %and3A_121 = arith.andi %add3A_119, %and3A_120 : vector<16xi32>
          %gather3A_122 = tpu.vector_load_idx %arg10[%add3A_97, %and3A_121] : memref<80x64xi32, #tpu.memory_space<vmem>>[vector<16xi32>, vector<16xi32>], vector<16xi32>,
          %gather3A_123 = tpu.vector_load_idx %arg11[%add3A_97, %and3A_121] : memref<80x64xi32, #tpu.memory_space<vmem>>[vector<16xi32>, vector<16xi32>], vector<16xi32>,
          %add3A_124 = arith.constant 2 : i32
          %add3A_125 = vector.broadcast %add3A_124 : i32 to vector<16xi32>
          %add3A_126 = arith.addi %scan3A_113, %add3A_125 : vector<16xi32>
          %and3A_127 = arith.constant 63 : i32
          %and3A_128 = vector.broadcast %and3A_127 : i32 to vector<16xi32>
          %and3A_129 = arith.andi %add3A_126, %and3A_128 : vector<16xi32>
          %bitcast3A = vector.bitcast %gather3A : vector<16xi32> to vector<32xbf16>
          %bitcast3A_130 = vector.bitcast %gather3A_116 : vector<16xi32> to vector<32xbf16>
          %mul3A_131 = arith.mulf %bitcast3A, %bitcast3A_130 : vector<32xbf16>
          %bitcast3A_132 = vector.bitcast %gather3A_122 : vector<16xi32> to vector<32xbf16>
          %bitcast3A_133 = vector.bitcast %gather3A_123 : vector<16xi32> to vector<32xbf16>
          %mul3A_134 = arith.mulf %bitcast3A_132, %bitcast3A_133 : vector<32xbf16>
          %add3A_135 = arith.addf %mul3A_131, %mul3A_134 : vector<32xbf16>
          %unpack3A = tpu.unpack_subelements %add3A_135, 0 {pack_format = #tpu.pack_format<interleaved>} : vector<32xbf16> -> vector<16xf32>
          %unpack3A_136 = tpu.unpack_subelements %add3A_135, 1 {pack_format = #tpu.pack_format<interleaved>} : vector<32xbf16> -> vector<16xf32>
          %add3A_137 = arith.addf %scan3A_114, %unpack3A : vector<16xf32>
          %add3A_138 = arith.addf %scan3A_115, %unpack3A_136 : vector<16xf32>
          %gather3A_139 = tpu.vector_load_idx %arg10[%add3A_97, %and3A_129] : memref<80x64xi32, #tpu.memory_space<vmem>>[vector<16xi32>, vector<16xi32>], vector<16xi32>,
          %gather3A_140 = tpu.vector_load_idx %arg11[%add3A_97, %and3A_129] : memref<80x64xi32, #tpu.memory_space<vmem>>[vector<16xi32>, vector<16xi32>], vector<16xi32>,
          %add3A_141 = arith.constant 1 : i32
          %add3A_142 = vector.broadcast %add3A_141 : i32 to vector<16xi32>
          %add3A_143 = arith.addi %and3A_129, %add3A_142 : vector<16xi32>
          %and3A_144 = arith.constant 63 : i32
          %and3A_145 = vector.broadcast %and3A_144 : i32 to vector<16xi32>
          %and3A_146 = arith.andi %add3A_143, %and3A_145 : vector<16xi32>
          %gather3A_147 = tpu.vector_load_idx %arg10[%add3A_97, %and3A_146] : memref<80x64xi32, #tpu.memory_space<vmem>>[vector<16xi32>, vector<16xi32>], vector<16xi32>,
          %gather3A_148 = tpu.vector_load_idx %arg11[%add3A_97, %and3A_146] : memref<80x64xi32, #tpu.memory_space<vmem>>[vector<16xi32>, vector<16xi32>], vector<16xi32>,
          %add3A_149 = arith.constant 2 : i32
          %add3A_150 = vector.broadcast %add3A_149 : i32 to vector<16xi32>
          %add3A_151 = arith.addi %and3A_129, %add3A_150 : vector<16xi32>
          %and3A_152 = arith.constant 63 : i32
          %and3A_153 = vector.broadcast %and3A_152 : i32 to vector<16xi32>
          %and3A_154 = arith.andi %add3A_151, %and3A_153 : vector<16xi32>
          %bitcast3A_155 = vector.bitcast %gather3A_139 : vector<16xi32> to vector<32xbf16>
          %bitcast3A_156 = vector.bitcast %gather3A_140 : vector<16xi32> to vector<32xbf16>
          %mul3A_157 = arith.mulf %bitcast3A_155, %bitcast3A_156 : vector<32xbf16>
          %bitcast3A_158 = vector.bitcast %gather3A_147 : vector<16xi32> to vector<32xbf16>
          %bitcast3A_159 = vector.bitcast %gather3A_148 : vector<16xi32> to vector<32xbf16>
          %mul3A_160 = arith.mulf %bitcast3A_158, %bitcast3A_159 : vector<32xbf16>
          %add3A_161 = arith.addf %mul3A_157, %mul3A_160 : vector<32xbf16>
          %unpack3A_162 = tpu.unpack_subelements %add3A_161, 0 {pack_format = #tpu.pack_format<interleaved>} : vector<32xbf16> -> vector<16xf32>
          %unpack3A_163 = tpu.unpack_subelements %add3A_161, 1 {pack_format = #tpu.pack_format<interleaved>} : vector<32xbf16> -> vector<16xf32>
          %add3A_164 = arith.addf %add3A_137, %unpack3A_162 : vector<16xf32>
          %add3A_165 = arith.addf %add3A_138, %unpack3A_163 : vector<16xf32>
          %gather3A_166 = tpu.vector_load_idx %arg10[%add3A_97, %and3A_154] : memref<80x64xi32, #tpu.memory_space<vmem>>[vector<16xi32>, vector<16xi32>], vector<16xi32>,
          %gather3A_167 = tpu.vector_load_idx %arg11[%add3A_97, %and3A_154] : memref<80x64xi32, #tpu.memory_space<vmem>>[vector<16xi32>, vector<16xi32>], vector<16xi32>,
          %add3A_168 = arith.constant 1 : i32
          %add3A_169 = vector.broadcast %add3A_168 : i32 to vector<16xi32>
          %add3A_170 = arith.addi %and3A_154, %add3A_169 : vector<16xi32>
          %and3A_171 = arith.constant 63 : i32
          %and3A_172 = vector.broadcast %and3A_171 : i32 to vector<16xi32>
          %and3A_173 = arith.andi %add3A_170, %and3A_172 : vector<16xi32>
          %gather3A_174 = tpu.vector_load_idx %arg10[%add3A_97, %and3A_173] : memref<80x64xi32, #tpu.memory_space<vmem>>[vector<16xi32>, vector<16xi32>], vector<16xi32>,
          %gather3A_175 = tpu.vector_load_idx %arg11[%add3A_97, %and3A_173] : memref<80x64xi32, #tpu.memory_space<vmem>>[vector<16xi32>, vector<16xi32>], vector<16xi32>,
          %add3A_176 = arith.constant 2 : i32
          %add3A_177 = vector.broadcast %add3A_176 : i32 to vector<16xi32>
          %add3A_178 = arith.addi %and3A_154, %add3A_177 : vector<16xi32>
          %and3A_179 = arith.constant 63 : i32
          %and3A_180 = vector.broadcast %and3A_179 : i32 to vector<16xi32>
          %and3A_181 = arith.andi %add3A_178, %and3A_180 : vector<16xi32>
          %bitcast3A_182 = vector.bitcast %gather3A_166 : vector<16xi32> to vector<32xbf16>
          %bitcast3A_183 = vector.bitcast %gather3A_167 : vector<16xi32> to vector<32xbf16>
          %mul3A_184 = arith.mulf %bitcast3A_182, %bitcast3A_183 : vector<32xbf16>
          %bitcast3A_185 = vector.bitcast %gather3A_174 : vector<16xi32> to vector<32xbf16>
          %bitcast3A_186 = vector.bitcast %gather3A_175 : vector<16xi32> to vector<32xbf16>
          %mul3A_187 = arith.mulf %bitcast3A_185, %bitcast3A_186 : vector<32xbf16>
          %add3A_188 = arith.addf %mul3A_184, %mul3A_187 : vector<32xbf16>
          %unpack3A_189 = tpu.unpack_subelements %add3A_188, 0 {pack_format = #tpu.pack_format<interleaved>} : vector<32xbf16> -> vector<16xf32>
          %unpack3A_190 = tpu.unpack_subelements %add3A_188, 1 {pack_format = #tpu.pack_format<interleaved>} : vector<32xbf16> -> vector<16xf32>
          %add3A_191 = arith.addf %add3A_164, %unpack3A_189 : vector<16xf32>
          %add3A_192 = arith.addf %add3A_165, %unpack3A_190 : vector<16xf32>
          %gather3A_193 = tpu.vector_load_idx %arg10[%add3A_97, %and3A_181] : memref<80x64xi32, #tpu.memory_space<vmem>>[vector<16xi32>, vector<16xi32>], vector<16xi32>,
          %gather3A_194 = tpu.vector_load_idx %arg11[%add3A_97, %and3A_181] : memref<80x64xi32, #tpu.memory_space<vmem>>[vector<16xi32>, vector<16xi32>], vector<16xi32>,
          %add3A_195 = arith.constant 1 : i32
          %add3A_196 = vector.broadcast %add3A_195 : i32 to vector<16xi32>
          %add3A_197 = arith.addi %and3A_181, %add3A_196 : vector<16xi32>
          %and3A_198 = arith.constant 63 : i32
          %and3A_199 = vector.broadcast %and3A_198 : i32 to vector<16xi32>
          %and3A_200 = arith.andi %add3A_197, %and3A_199 : vector<16xi32>
          %gather3A_201 = tpu.vector_load_idx %arg10[%add3A_97, %and3A_200] : memref<80x64xi32, #tpu.memory_space<vmem>>[vector<16xi32>, vector<16xi32>], vector<16xi32>,
          %gather3A_202 = tpu.vector_load_idx %arg11[%add3A_97, %and3A_200] : memref<80x64xi32, #tpu.memory_space<vmem>>[vector<16xi32>, vector<16xi32>], vector<16xi32>,
          %add3A_203 = arith.constant 2 : i32
          %add3A_204 = vector.broadcast %add3A_203 : i32 to vector<16xi32>
          %add3A_205 = arith.addi %and3A_181, %add3A_204 : vector<16xi32>
          %and3A_206 = arith.constant 63 : i32
          %and3A_207 = vector.broadcast %and3A_206 : i32 to vector<16xi32>
          %and3A_208 = arith.andi %add3A_205, %and3A_207 : vector<16xi32>
          %bitcast3A_209 = vector.bitcast %gather3A_193 : vector<16xi32> to vector<32xbf16>
          %bitcast3A_210 = vector.bitcast %gather3A_194 : vector<16xi32> to vector<32xbf16>
          %mul3A_211 = arith.mulf %bitcast3A_209, %bitcast3A_210 : vector<32xbf16>
          %bitcast3A_212 = vector.bitcast %gather3A_201 : vector<16xi32> to vector<32xbf16>
          %bitcast3A_213 = vector.bitcast %gather3A_202 : vector<16xi32> to vector<32xbf16>
          %mul3A_214 = arith.mulf %bitcast3A_212, %bitcast3A_213 : vector<32xbf16>
          %add3A_215 = arith.addf %mul3A_211, %mul3A_214 : vector<32xbf16>
          %unpack3A_216 = tpu.unpack_subelements %add3A_215, 0 {pack_format = #tpu.pack_format<interleaved>} : vector<32xbf16> -> vector<16xf32>
          %unpack3A_217 = tpu.unpack_subelements %add3A_215, 1 {pack_format = #tpu.pack_format<interleaved>} : vector<32xbf16> -> vector<16xf32>
          %add3A_218 = arith.addf %add3A_191, %unpack3A_216 : vector<16xf32>
          %add3A_219 = arith.addf %add3A_192, %unpack3A_217 : vector<16xf32>
          %gather3A_220 = tpu.vector_load_idx %arg10[%add3A_97, %and3A_208] : memref<80x64xi32, #tpu.memory_space<vmem>>[vector<16xi32>, vector<16xi32>], vector<16xi32>,
          %gather3A_221 = tpu.vector_load_idx %arg11[%add3A_97, %and3A_208] : memref<80x64xi32, #tpu.memory_space<vmem>>[vector<16xi32>, vector<16xi32>], vector<16xi32>,
          %add3A_222 = arith.constant 1 : i32
          %add3A_223 = vector.broadcast %add3A_222 : i32 to vector<16xi32>
          %add3A_224 = arith.addi %and3A_208, %add3A_223 : vector<16xi32>
          %and3A_225 = arith.constant 63 : i32
          %and3A_226 = vector.broadcast %and3A_225 : i32 to vector<16xi32>
          %and3A_227 = arith.andi %add3A_224, %and3A_226 : vector<16xi32>
          %gather3A_228 = tpu.vector_load_idx %arg10[%add3A_97, %and3A_227] : memref<80x64xi32, #tpu.memory_space<vmem>>[vector<16xi32>, vector<16xi32>], vector<16xi32>,
          %gather3A_229 = tpu.vector_load_idx %arg11[%add3A_97, %and3A_227] : memref<80x64xi32, #tpu.memory_space<vmem>>[vector<16xi32>, vector<16xi32>], vector<16xi32>,
          %add3A_230 = arith.constant 2 : i32
          %add3A_231 = vector.broadcast %add3A_230 : i32 to vector<16xi32>
          %add3A_232 = arith.addi %and3A_208, %add3A_231 : vector<16xi32>
          %and3A_233 = arith.constant 63 : i32
          %and3A_234 = vector.broadcast %and3A_233 : i32 to vector<16xi32>
          %and3A_235 = arith.andi %add3A_232, %and3A_234 : vector<16xi32>
          %bitcast3A_236 = vector.bitcast %gather3A_220 : vector<16xi32> to vector<32xbf16>
          %bitcast3A_237 = vector.bitcast %gather3A_221 : vector<16xi32> to vector<32xbf16>
          %mul3A_238 = arith.mulf %bitcast3A_236, %bitcast3A_237 : vector<32xbf16>
          %bitcast3A_239 = vector.bitcast %gather3A_228 : vector<16xi32> to vector<32xbf16>
          %bitcast3A_240 = vector.bitcast %gather3A_229 : vector<16xi32> to vector<32xbf16>
          %mul3A_241 = arith.mulf %bitcast3A_239, %bitcast3A_240 : vector<32xbf16>
          %add3A_242 = arith.addf %mul3A_238, %mul3A_241 : vector<32xbf16>
          %unpack3A_243 = tpu.unpack_subelements %add3A_242, 0 {pack_format = #tpu.pack_format<interleaved>} : vector<32xbf16> -> vector<16xf32>
          %unpack3A_244 = tpu.unpack_subelements %add3A_242, 1 {pack_format = #tpu.pack_format<interleaved>} : vector<32xbf16> -> vector<16xf32>
          %add3A_245 = arith.addf %add3A_218, %unpack3A_243 : vector<16xf32>
          %add3A_246 = arith.addf %add3A_219, %unpack3A_244 : vector<16xf32>
          %gather3A_247 = tpu.vector_load_idx %arg10[%add3A_97, %and3A_235] : memref<80x64xi32, #tpu.memory_space<vmem>>[vector<16xi32>, vector<16xi32>], vector<16xi32>,
          %gather3A_248 = tpu.vector_load_idx %arg11[%add3A_97, %and3A_235] : memref<80x64xi32, #tpu.memory_space<vmem>>[vector<16xi32>, vector<16xi32>], vector<16xi32>,
          %add3A_249 = arith.constant 1 : i32
          %add3A_250 = vector.broadcast %add3A_249 : i32 to vector<16xi32>
          %add3A_251 = arith.addi %and3A_235, %add3A_250 : vector<16xi32>
          %and3A_252 = arith.constant 63 : i32
          %and3A_253 = vector.broadcast %and3A_252 : i32 to vector<16xi32>
          %and3A_254 = arith.andi %add3A_251, %and3A_253 : vector<16xi32>
          %gather3A_255 = tpu.vector_load_idx %arg10[%add3A_97, %and3A_254] : memref<80x64xi32, #tpu.memory_space<vmem>>[vector<16xi32>, vector<16xi32>], vector<16xi32>,
          %gather3A_256 = tpu.vector_load_idx %arg11[%add3A_97, %and3A_254] : memref<80x64xi32, #tpu.memory_space<vmem>>[vector<16xi32>, vector<16xi32>], vector<16xi32>,
          %add3A_257 = arith.constant 2 : i32
          %add3A_258 = vector.broadcast %add3A_257 : i32 to vector<16xi32>
          %add3A_259 = arith.addi %and3A_235, %add3A_258 : vector<16xi32>
          %and3A_260 = arith.constant 63 : i32
          %and3A_261 = vector.broadcast %and3A_260 : i32 to vector<16xi32>
          %and3A_262 = arith.andi %add3A_259, %and3A_261 : vector<16xi32>
          %bitcast3A_263 = vector.bitcast %gather3A_247 : vector<16xi32> to vector<32xbf16>
          %bitcast3A_264 = vector.bitcast %gather3A_248 : vector<16xi32> to vector<32xbf16>
          %mul3A_265 = arith.mulf %bitcast3A_263, %bitcast3A_264 : vector<32xbf16>
          %bitcast3A_266 = vector.bitcast %gather3A_255 : vector<16xi32> to vector<32xbf16>
          %bitcast3A_267 = vector.bitcast %gather3A_256 : vector<16xi32> to vector<32xbf16>
          %mul3A_268 = arith.mulf %bitcast3A_266, %bitcast3A_267 : vector<32xbf16>
          %add3A_269 = arith.addf %mul3A_265, %mul3A_268 : vector<32xbf16>
          %unpack3A_270 = tpu.unpack_subelements %add3A_269, 0 {pack_format = #tpu.pack_format<interleaved>} : vector<32xbf16> -> vector<16xf32>
          %unpack3A_271 = tpu.unpack_subelements %add3A_269, 1 {pack_format = #tpu.pack_format<interleaved>} : vector<32xbf16> -> vector<16xf32>
          %add3A_272 = arith.addf %add3A_245, %unpack3A_270 : vector<16xf32>
          %add3A_273 = arith.addf %add3A_246, %unpack3A_271 : vector<16xf32>
          %gather3A_274 = tpu.vector_load_idx %arg10[%add3A_97, %and3A_262] : memref<80x64xi32, #tpu.memory_space<vmem>>[vector<16xi32>, vector<16xi32>], vector<16xi32>,
          %gather3A_275 = tpu.vector_load_idx %arg11[%add3A_97, %and3A_262] : memref<80x64xi32, #tpu.memory_space<vmem>>[vector<16xi32>, vector<16xi32>], vector<16xi32>,
          %add3A_276 = arith.constant 1 : i32
          %add3A_277 = vector.broadcast %add3A_276 : i32 to vector<16xi32>
          %add3A_278 = arith.addi %and3A_262, %add3A_277 : vector<16xi32>
          %and3A_279 = arith.constant 63 : i32
          %and3A_280 = vector.broadcast %and3A_279 : i32 to vector<16xi32>
          %and3A_281 = arith.andi %add3A_278, %and3A_280 : vector<16xi32>
          %gather3A_282 = tpu.vector_load_idx %arg10[%add3A_97, %and3A_281] : memref<80x64xi32, #tpu.memory_space<vmem>>[vector<16xi32>, vector<16xi32>], vector<16xi32>,
          %gather3A_283 = tpu.vector_load_idx %arg11[%add3A_97, %and3A_281] : memref<80x64xi32, #tpu.memory_space<vmem>>[vector<16xi32>, vector<16xi32>], vector<16xi32>,
          %add3A_284 = arith.constant 2 : i32
          %add3A_285 = vector.broadcast %add3A_284 : i32 to vector<16xi32>
          %add3A_286 = arith.addi %and3A_262, %add3A_285 : vector<16xi32>
          %and3A_287 = arith.constant 63 : i32
          %and3A_288 = vector.broadcast %and3A_287 : i32 to vector<16xi32>
          %and3A_289 = arith.andi %add3A_286, %and3A_288 : vector<16xi32>
          %bitcast3A_290 = vector.bitcast %gather3A_274 : vector<16xi32> to vector<32xbf16>
          %bitcast3A_291 = vector.bitcast %gather3A_275 : vector<16xi32> to vector<32xbf16>
          %mul3A_292 = arith.mulf %bitcast3A_290, %bitcast3A_291 : vector<32xbf16>
          %bitcast3A_293 = vector.bitcast %gather3A_282 : vector<16xi32> to vector<32xbf16>
          %bitcast3A_294 = vector.bitcast %gather3A_283 : vector<16xi32> to vector<32xbf16>
          %mul3A_295 = arith.mulf %bitcast3A_293, %bitcast3A_294 : vector<32xbf16>
          %add3A_296 = arith.addf %mul3A_292, %mul3A_295 : vector<32xbf16>
          %unpack3A_297 = tpu.unpack_subelements %add3A_296, 0 {pack_format = #tpu.pack_format<interleaved>} : vector<32xbf16> -> vector<16xf32>
          %unpack3A_298 = tpu.unpack_subelements %add3A_296, 1 {pack_format = #tpu.pack_format<interleaved>} : vector<32xbf16> -> vector<16xf32>
          %add3A_299 = arith.addf %add3A_272, %unpack3A_297 : vector<16xf32>
          %add3A_300 = arith.addf %add3A_273, %unpack3A_298 : vector<16xf32>
          %gather3A_301 = tpu.vector_load_idx %arg10[%add3A_97, %and3A_289] : memref<80x64xi32, #tpu.memory_space<vmem>>[vector<16xi32>, vector<16xi32>], vector<16xi32>,
          %gather3A_302 = tpu.vector_load_idx %arg11[%add3A_97, %and3A_289] : memref<80x64xi32, #tpu.memory_space<vmem>>[vector<16xi32>, vector<16xi32>], vector<16xi32>,
          %add3A_303 = arith.constant 1 : i32
          %add3A_304 = vector.broadcast %add3A_303 : i32 to vector<16xi32>
          %add3A_305 = arith.addi %and3A_289, %add3A_304 : vector<16xi32>
          %and3A_306 = arith.constant 63 : i32
          %and3A_307 = vector.broadcast %and3A_306 : i32 to vector<16xi32>
          %and3A_308 = arith.andi %add3A_305, %and3A_307 : vector<16xi32>
          %gather3A_309 = tpu.vector_load_idx %arg10[%add3A_97, %and3A_308] : memref<80x64xi32, #tpu.memory_space<vmem>>[vector<16xi32>, vector<16xi32>], vector<16xi32>,
          %gather3A_310 = tpu.vector_load_idx %arg11[%add3A_97, %and3A_308] : memref<80x64xi32, #tpu.memory_space<vmem>>[vector<16xi32>, vector<16xi32>], vector<16xi32>,
          %add3A_311 = arith.constant 2 : i32
          %add3A_312 = vector.broadcast %add3A_311 : i32 to vector<16xi32>
          %add3A_313 = arith.addi %and3A_289, %add3A_312 : vector<16xi32>
          %and3A_314 = arith.constant 63 : i32
          %and3A_315 = vector.broadcast %and3A_314 : i32 to vector<16xi32>
          %and3A_316 = arith.andi %add3A_313, %and3A_315 : vector<16xi32>
          %bitcast3A_317 = vector.bitcast %gather3A_301 : vector<16xi32> to vector<32xbf16>
          %bitcast3A_318 = vector.bitcast %gather3A_302 : vector<16xi32> to vector<32xbf16>
          %mul3A_319 = arith.mulf %bitcast3A_317, %bitcast3A_318 : vector<32xbf16>
          %bitcast3A_320 = vector.bitcast %gather3A_309 : vector<16xi32> to vector<32xbf16>
          %bitcast3A_321 = vector.bitcast %gather3A_310 : vector<16xi32> to vector<32xbf16>
          %mul3A_322 = arith.mulf %bitcast3A_320, %bitcast3A_321 : vector<32xbf16>
          %add3A_323 = arith.addf %mul3A_319, %mul3A_322 : vector<32xbf16>
          %unpack3A_324 = tpu.unpack_subelements %add3A_323, 0 {pack_format = #tpu.pack_format<interleaved>} : vector<32xbf16> -> vector<16xf32>
          %unpack3A_325 = tpu.unpack_subelements %add3A_323, 1 {pack_format = #tpu.pack_format<interleaved>} : vector<32xbf16> -> vector<16xf32>
          %add3A_326 = arith.addf %add3A_299, %unpack3A_324 : vector<16xf32>
          %add3A_327 = arith.addf %add3A_300, %unpack3A_325 : vector<16xf32>
          %gather3A_328 = tpu.vector_load_idx %arg10[%add3A_97, %and3A_316] : memref<80x64xi32, #tpu.memory_space<vmem>>[vector<16xi32>, vector<16xi32>], vector<16xi32>,
          %gather3A_329 = tpu.vector_load_idx %arg11[%add3A_97, %and3A_316] : memref<80x64xi32, #tpu.memory_space<vmem>>[vector<16xi32>, vector<16xi32>], vector<16xi32>,
          %add3A_330 = arith.constant 1 : i32
          %add3A_331 = vector.broadcast %add3A_330 : i32 to vector<16xi32>
          %add3A_332 = arith.addi %and3A_316, %add3A_331 : vector<16xi32>
          %and3A_333 = arith.constant 63 : i32
          %and3A_334 = vector.broadcast %and3A_333 : i32 to vector<16xi32>
          %and3A_335 = arith.andi %add3A_332, %and3A_334 : vector<16xi32>
          %gather3A_336 = tpu.vector_load_idx %arg10[%add3A_97, %and3A_335] : memref<80x64xi32, #tpu.memory_space<vmem>>[vector<16xi32>, vector<16xi32>], vector<16xi32>,
          %gather3A_337 = tpu.vector_load_idx %arg11[%add3A_97, %and3A_335] : memref<80x64xi32, #tpu.memory_space<vmem>>[vector<16xi32>, vector<16xi32>], vector<16xi32>,
          %add3A_338 = arith.constant 2 : i32
          %add3A_339 = vector.broadcast %add3A_338 : i32 to vector<16xi32>
          %add3A_340 = arith.addi %and3A_316, %add3A_339 : vector<16xi32>
          %and3A_341 = arith.constant 63 : i32
          %and3A_342 = vector.broadcast %and3A_341 : i32 to vector<16xi32>
          %and3A_343 = arith.andi %add3A_340, %and3A_342 : vector<16xi32>
          %bitcast3A_344 = vector.bitcast %gather3A_328 : vector<16xi32> to vector<32xbf16>
          %bitcast3A_345 = vector.bitcast %gather3A_329 : vector<16xi32> to vector<32xbf16>
          %mul3A_346 = arith.mulf %bitcast3A_344, %bitcast3A_345 : vector<32xbf16>
          %bitcast3A_347 = vector.bitcast %gather3A_336 : vector<16xi32> to vector<32xbf16>
          %bitcast3A_348 = vector.bitcast %gather3A_337 : vector<16xi32> to vector<32xbf16>
          %mul3A_349 = arith.mulf %bitcast3A_347, %bitcast3A_348 : vector<32xbf16>
          %add3A_350 = arith.addf %mul3A_346, %mul3A_349 : vector<32xbf16>
          %unpack3A_351 = tpu.unpack_subelements %add3A_350, 0 {pack_format = #tpu.pack_format<interleaved>} : vector<32xbf16> -> vector<16xf32>
          %unpack3A_352 = tpu.unpack_subelements %add3A_350, 1 {pack_format = #tpu.pack_format<interleaved>} : vector<32xbf16> -> vector<16xf32>
          %add3A_353 = arith.addf %add3A_326, %unpack3A_351 : vector<16xf32>
          %add3A_354 = arith.addf %add3A_327, %unpack3A_352 : vector<16xf32>
          %gather3A_355 = tpu.vector_load_idx %arg10[%add3A_97, %and3A_343] : memref<80x64xi32, #tpu.memory_space<vmem>>[vector<16xi32>, vector<16xi32>], vector<16xi32>,
          %gather3A_356 = tpu.vector_load_idx %arg11[%add3A_97, %and3A_343] : memref<80x64xi32, #tpu.memory_space<vmem>>[vector<16xi32>, vector<16xi32>], vector<16xi32>,
          %add3A_357 = arith.constant 1 : i32
          %add3A_358 = vector.broadcast %add3A_357 : i32 to vector<16xi32>
          %add3A_359 = arith.addi %and3A_343, %add3A_358 : vector<16xi32>
          %and3A_360 = arith.constant 63 : i32
          %and3A_361 = vector.broadcast %and3A_360 : i32 to vector<16xi32>
          %and3A_362 = arith.andi %add3A_359, %and3A_361 : vector<16xi32>
          %gather3A_363 = tpu.vector_load_idx %arg10[%add3A_97, %and3A_362] : memref<80x64xi32, #tpu.memory_space<vmem>>[vector<16xi32>, vector<16xi32>], vector<16xi32>,
          %gather3A_364 = tpu.vector_load_idx %arg11[%add3A_97, %and3A_362] : memref<80x64xi32, #tpu.memory_space<vmem>>[vector<16xi32>, vector<16xi32>], vector<16xi32>,
          %add3A_365 = arith.constant 2 : i32
          %add3A_366 = vector.broadcast %add3A_365 : i32 to vector<16xi32>
          %add3A_367 = arith.addi %and3A_343, %add3A_366 : vector<16xi32>
          %and3A_368 = arith.constant 63 : i32
          %and3A_369 = vector.broadcast %and3A_368 : i32 to vector<16xi32>
          %and3A_370 = arith.andi %add3A_367, %and3A_369 : vector<16xi32>
          %bitcast3A_371 = vector.bitcast %gather3A_355 : vector<16xi32> to vector<32xbf16>
          %bitcast3A_372 = vector.bitcast %gather3A_356 : vector<16xi32> to vector<32xbf16>
          %mul3A_373 = arith.mulf %bitcast3A_371, %bitcast3A_372 : vector<32xbf16>
          %bitcast3A_374 = vector.bitcast %gather3A_363 : vector<16xi32> to vector<32xbf16>
          %bitcast3A_375 = vector.bitcast %gather3A_364 : vector<16xi32> to vector<32xbf16>
          %mul3A_376 = arith.mulf %bitcast3A_374, %bitcast3A_375 : vector<32xbf16>
          %add3A_377 = arith.addf %mul3A_373, %mul3A_376 : vector<32xbf16>
          %unpack3A_378 = tpu.unpack_subelements %add3A_377, 0 {pack_format = #tpu.pack_format<interleaved>} : vector<32xbf16> -> vector<16xf32>
          %unpack3A_379 = tpu.unpack_subelements %add3A_377, 1 {pack_format = #tpu.pack_format<interleaved>} : vector<32xbf16> -> vector<16xf32>
          %add3A_380 = arith.addf %add3A_353, %unpack3A_378 : vector<16xf32>
          %add3A_381 = arith.addf %add3A_354, %unpack3A_379 : vector<16xf32>
          %gather3A_382 = tpu.vector_load_idx %arg10[%add3A_97, %and3A_370] : memref<80x64xi32, #tpu.memory_space<vmem>>[vector<16xi32>, vector<16xi32>], vector<16xi32>,
          %gather3A_383 = tpu.vector_load_idx %arg11[%add3A_97, %and3A_370] : memref<80x64xi32, #tpu.memory_space<vmem>>[vector<16xi32>, vector<16xi32>], vector<16xi32>,
          %add3A_384 = arith.constant 1 : i32
          %add3A_385 = vector.broadcast %add3A_384 : i32 to vector<16xi32>
          %add3A_386 = arith.addi %and3A_370, %add3A_385 : vector<16xi32>
          %and3A_387 = arith.constant 63 : i32
          %and3A_388 = vector.broadcast %and3A_387 : i32 to vector<16xi32>
          %and3A_389 = arith.andi %add3A_386, %and3A_388 : vector<16xi32>
          %gather3A_390 = tpu.vector_load_idx %arg10[%add3A_97, %and3A_389] : memref<80x64xi32, #tpu.memory_space<vmem>>[vector<16xi32>, vector<16xi32>], vector<16xi32>,
          %gather3A_391 = tpu.vector_load_idx %arg11[%add3A_97, %and3A_389] : memref<80x64xi32, #tpu.memory_space<vmem>>[vector<16xi32>, vector<16xi32>], vector<16xi32>,
          %add3A_392 = arith.constant 2 : i32
          %add3A_393 = vector.broadcast %add3A_392 : i32 to vector<16xi32>
          %add3A_394 = arith.addi %and3A_370, %add3A_393 : vector<16xi32>
          %and3A_395 = arith.constant 63 : i32
          %and3A_396 = vector.broadcast %and3A_395 : i32 to vector<16xi32>
          %and3A_397 = arith.andi %add3A_394, %and3A_396 : vector<16xi32>
          %bitcast3A_398 = vector.bitcast %gather3A_382 : vector<16xi32> to vector<32xbf16>
          %bitcast3A_399 = vector.bitcast %gather3A_383 : vector<16xi32> to vector<32xbf16>
          %mul3A_400 = arith.mulf %bitcast3A_398, %bitcast3A_399 : vector<32xbf16>
          %bitcast3A_401 = vector.bitcast %gather3A_390 : vector<16xi32> to vector<32xbf16>
          %bitcast3A_402 = vector.bitcast %gather3A_391 : vector<16xi32> to vector<32xbf16>
          %mul3A_403 = arith.mulf %bitcast3A_401, %bitcast3A_402 : vector<32xbf16>
          %add3A_404 = arith.addf %mul3A_400, %mul3A_403 : vector<32xbf16>
          %unpack3A_405 = tpu.unpack_subelements %add3A_404, 0 {pack_format = #tpu.pack_format<interleaved>} : vector<32xbf16> -> vector<16xf32>
          %unpack3A_406 = tpu.unpack_subelements %add3A_404, 1 {pack_format = #tpu.pack_format<interleaved>} : vector<32xbf16> -> vector<16xf32>
          %add3A_407 = arith.addf %add3A_380, %unpack3A_405 : vector<16xf32>
          %add3A_408 = arith.addf %add3A_381, %unpack3A_406 : vector<16xf32>
          %gather3A_409 = tpu.vector_load_idx %arg10[%add3A_97, %and3A_397] : memref<80x64xi32, #tpu.memory_space<vmem>>[vector<16xi32>, vector<16xi32>], vector<16xi32>,
          %gather3A_410 = tpu.vector_load_idx %arg11[%add3A_97, %and3A_397] : memref<80x64xi32, #tpu.memory_space<vmem>>[vector<16xi32>, vector<16xi32>], vector<16xi32>,
          %add3A_411 = arith.constant 1 : i32
          %add3A_412 = vector.broadcast %add3A_411 : i32 to vector<16xi32>
          %add3A_413 = arith.addi %and3A_397, %add3A_412 : vector<16xi32>
          %and3A_414 = arith.constant 63 : i32
          %and3A_415 = vector.broadcast %and3A_414 : i32 to vector<16xi32>
          %and3A_416 = arith.andi %add3A_413, %and3A_415 : vector<16xi32>
          %gather3A_417 = tpu.vector_load_idx %arg10[%add3A_97, %and3A_416] : memref<80x64xi32, #tpu.memory_space<vmem>>[vector<16xi32>, vector<16xi32>], vector<16xi32>,
          %gather3A_418 = tpu.vector_load_idx %arg11[%add3A_97, %and3A_416] : memref<80x64xi32, #tpu.memory_space<vmem>>[vector<16xi32>, vector<16xi32>], vector<16xi32>,
          %add3A_419 = arith.constant 2 : i32
          %add3A_420 = vector.broadcast %add3A_419 : i32 to vector<16xi32>
          %add3A_421 = arith.addi %and3A_397, %add3A_420 : vector<16xi32>
          %and3A_422 = arith.constant 63 : i32
          %and3A_423 = vector.broadcast %and3A_422 : i32 to vector<16xi32>
          %and3A_424 = arith.andi %add3A_421, %and3A_423 : vector<16xi32>
          %bitcast3A_425 = vector.bitcast %gather3A_409 : vector<16xi32> to vector<32xbf16>
          %bitcast3A_426 = vector.bitcast %gather3A_410 : vector<16xi32> to vector<32xbf16>
          %mul3A_427 = arith.mulf %bitcast3A_425, %bitcast3A_426 : vector<32xbf16>
          %bitcast3A_428 = vector.bitcast %gather3A_417 : vector<16xi32> to vector<32xbf16>
          %bitcast3A_429 = vector.bitcast %gather3A_418 : vector<16xi32> to vector<32xbf16>
          %mul3A_430 = arith.mulf %bitcast3A_428, %bitcast3A_429 : vector<32xbf16>
          %add3A_431 = arith.addf %mul3A_427, %mul3A_430 : vector<32xbf16>
          %unpack3A_432 = tpu.unpack_subelements %add3A_431, 0 {pack_format = #tpu.pack_format<interleaved>} : vector<32xbf16> -> vector<16xf32>
          %unpack3A_433 = tpu.unpack_subelements %add3A_431, 1 {pack_format = #tpu.pack_format<interleaved>} : vector<32xbf16> -> vector<16xf32>
          %add3A_434 = arith.addf %add3A_407, %unpack3A_432 : vector<16xf32>
          %add3A_435 = arith.addf %add3A_408, %unpack3A_433 : vector<16xf32>
          %gather3A_436 = tpu.vector_load_idx %arg10[%add3A_97, %and3A_424] : memref<80x64xi32, #tpu.memory_space<vmem>>[vector<16xi32>, vector<16xi32>], vector<16xi32>,
          %gather3A_437 = tpu.vector_load_idx %arg11[%add3A_97, %and3A_424] : memref<80x64xi32, #tpu.memory_space<vmem>>[vector<16xi32>, vector<16xi32>], vector<16xi32>,
          %add3A_438 = arith.constant 1 : i32
          %add3A_439 = vector.broadcast %add3A_438 : i32 to vector<16xi32>
          %add3A_440 = arith.addi %and3A_424, %add3A_439 : vector<16xi32>
          %and3A_441 = arith.constant 63 : i32
          %and3A_442 = vector.broadcast %and3A_441 : i32 to vector<16xi32>
          %and3A_443 = arith.andi %add3A_440, %and3A_442 : vector<16xi32>
          %gather3A_444 = tpu.vector_load_idx %arg10[%add3A_97, %and3A_443] : memref<80x64xi32, #tpu.memory_space<vmem>>[vector<16xi32>, vector<16xi32>], vector<16xi32>,
          %gather3A_445 = tpu.vector_load_idx %arg11[%add3A_97, %and3A_443] : memref<80x64xi32, #tpu.memory_space<vmem>>[vector<16xi32>, vector<16xi32>], vector<16xi32>,
          %add3A_446 = arith.constant 2 : i32
          %add3A_447 = vector.broadcast %add3A_446 : i32 to vector<16xi32>
          %add3A_448 = arith.addi %and3A_424, %add3A_447 : vector<16xi32>
          %and3A_449 = arith.constant 63 : i32
          %and3A_450 = vector.broadcast %and3A_449 : i32 to vector<16xi32>
          %and3A_451 = arith.andi %add3A_448, %and3A_450 : vector<16xi32>
          %bitcast3A_452 = vector.bitcast %gather3A_436 : vector<16xi32> to vector<32xbf16>
          %bitcast3A_453 = vector.bitcast %gather3A_437 : vector<16xi32> to vector<32xbf16>
          %mul3A_454 = arith.mulf %bitcast3A_452, %bitcast3A_453 : vector<32xbf16>
          %bitcast3A_455 = vector.bitcast %gather3A_444 : vector<16xi32> to vector<32xbf16>
          %bitcast3A_456 = vector.bitcast %gather3A_445 : vector<16xi32> to vector<32xbf16>
          %mul3A_457 = arith.mulf %bitcast3A_455, %bitcast3A_456 : vector<32xbf16>
          %add3A_458 = arith.addf %mul3A_454, %mul3A_457 : vector<32xbf16>
          %unpack3A_459 = tpu.unpack_subelements %add3A_458, 0 {pack_format = #tpu.pack_format<interleaved>} : vector<32xbf16> -> vector<16xf32>
          %unpack3A_460 = tpu.unpack_subelements %add3A_458, 1 {pack_format = #tpu.pack_format<interleaved>} : vector<32xbf16> -> vector<16xf32>
          %add3A_461 = arith.addf %add3A_434, %unpack3A_459 : vector<16xf32>
          %add3A_462 = arith.addf %add3A_435, %unpack3A_460 : vector<16xf32>
          %gather3A_463 = tpu.vector_load_idx %arg10[%add3A_97, %and3A_451] : memref<80x64xi32, #tpu.memory_space<vmem>>[vector<16xi32>, vector<16xi32>], vector<16xi32>,
          %gather3A_464 = tpu.vector_load_idx %arg11[%add3A_97, %and3A_451] : memref<80x64xi32, #tpu.memory_space<vmem>>[vector<16xi32>, vector<16xi32>], vector<16xi32>,
          %add3A_465 = arith.constant 1 : i32
          %add3A_466 = vector.broadcast %add3A_465 : i32 to vector<16xi32>
          %add3A_467 = arith.addi %and3A_451, %add3A_466 : vector<16xi32>
          %and3A_468 = arith.constant 63 : i32
          %and3A_469 = vector.broadcast %and3A_468 : i32 to vector<16xi32>
          %and3A_470 = arith.andi %add3A_467, %and3A_469 : vector<16xi32>
          %gather3A_471 = tpu.vector_load_idx %arg10[%add3A_97, %and3A_470] : memref<80x64xi32, #tpu.memory_space<vmem>>[vector<16xi32>, vector<16xi32>], vector<16xi32>,
          %gather3A_472 = tpu.vector_load_idx %arg11[%add3A_97, %and3A_470] : memref<80x64xi32, #tpu.memory_space<vmem>>[vector<16xi32>, vector<16xi32>], vector<16xi32>,
          %add3A_473 = arith.constant 2 : i32
          %add3A_474 = vector.broadcast %add3A_473 : i32 to vector<16xi32>
          %add3A_475 = arith.addi %and3A_451, %add3A_474 : vector<16xi32>
          %and3A_476 = arith.constant 63 : i32
          %and3A_477 = vector.broadcast %and3A_476 : i32 to vector<16xi32>
          %and3A_478 = arith.andi %add3A_475, %and3A_477 : vector<16xi32>
          %bitcast3A_479 = vector.bitcast %gather3A_463 : vector<16xi32> to vector<32xbf16>
          %bitcast3A_480 = vector.bitcast %gather3A_464 : vector<16xi32> to vector<32xbf16>
          %mul3A_481 = arith.mulf %bitcast3A_479, %bitcast3A_480 : vector<32xbf16>
          %bitcast3A_482 = vector.bitcast %gather3A_471 : vector<16xi32> to vector<32xbf16>
          %bitcast3A_483 = vector.bitcast %gather3A_472 : vector<16xi32> to vector<32xbf16>
          %mul3A_484 = arith.mulf %bitcast3A_482, %bitcast3A_483 : vector<32xbf16>
          %add3A_485 = arith.addf %mul3A_481, %mul3A_484 : vector<32xbf16>
          %unpack3A_486 = tpu.unpack_subelements %add3A_485, 0 {pack_format = #tpu.pack_format<interleaved>} : vector<32xbf16> -> vector<16xf32>
          %unpack3A_487 = tpu.unpack_subelements %add3A_485, 1 {pack_format = #tpu.pack_format<interleaved>} : vector<32xbf16> -> vector<16xf32>
          %add3A_488 = arith.addf %add3A_461, %unpack3A_486 : vector<16xf32>
          %add3A_489 = arith.addf %add3A_462, %unpack3A_487 : vector<16xf32>
          %gather3A_490 = tpu.vector_load_idx %arg10[%add3A_97, %and3A_478] : memref<80x64xi32, #tpu.memory_space<vmem>>[vector<16xi32>, vector<16xi32>], vector<16xi32>,
          %gather3A_491 = tpu.vector_load_idx %arg11[%add3A_97, %and3A_478] : memref<80x64xi32, #tpu.memory_space<vmem>>[vector<16xi32>, vector<16xi32>], vector<16xi32>,
          %add3A_492 = arith.constant 1 : i32
          %add3A_493 = vector.broadcast %add3A_492 : i32 to vector<16xi32>
          %add3A_494 = arith.addi %and3A_478, %add3A_493 : vector<16xi32>
          %and3A_495 = arith.constant 63 : i32
          %and3A_496 = vector.broadcast %and3A_495 : i32 to vector<16xi32>
          %and3A_497 = arith.andi %add3A_494, %and3A_496 : vector<16xi32>
          %gather3A_498 = tpu.vector_load_idx %arg10[%add3A_97, %and3A_497] : memref<80x64xi32, #tpu.memory_space<vmem>>[vector<16xi32>, vector<16xi32>], vector<16xi32>,
          %gather3A_499 = tpu.vector_load_idx %arg11[%add3A_97, %and3A_497] : memref<80x64xi32, #tpu.memory_space<vmem>>[vector<16xi32>, vector<16xi32>], vector<16xi32>,
          %add3A_500 = arith.constant 2 : i32
          %add3A_501 = vector.broadcast %add3A_500 : i32 to vector<16xi32>
          %add3A_502 = arith.addi %and3A_478, %add3A_501 : vector<16xi32>
          %and3A_503 = arith.constant 63 : i32
          %and3A_504 = vector.broadcast %and3A_503 : i32 to vector<16xi32>
          %and3A_505 = arith.andi %add3A_502, %and3A_504 : vector<16xi32>
          %bitcast3A_506 = vector.bitcast %gather3A_490 : vector<16xi32> to vector<32xbf16>
          %bitcast3A_507 = vector.bitcast %gather3A_491 : vector<16xi32> to vector<32xbf16>
          %mul3A_508 = arith.mulf %bitcast3A_506, %bitcast3A_507 : vector<32xbf16>
          %bitcast3A_509 = vector.bitcast %gather3A_498 : vector<16xi32> to vector<32xbf16>
          %bitcast3A_510 = vector.bitcast %gather3A_499 : vector<16xi32> to vector<32xbf16>
          %mul3A_511 = arith.mulf %bitcast3A_509, %bitcast3A_510 : vector<32xbf16>
          %add3A_512 = arith.addf %mul3A_508, %mul3A_511 : vector<32xbf16>
          %unpack3A_513 = tpu.unpack_subelements %add3A_512, 0 {pack_format = #tpu.pack_format<interleaved>} : vector<32xbf16> -> vector<16xf32>
          %unpack3A_514 = tpu.unpack_subelements %add3A_512, 1 {pack_format = #tpu.pack_format<interleaved>} : vector<32xbf16> -> vector<16xf32>
          %add3A_515 = arith.addf %add3A_488, %unpack3A_513 : vector<16xf32>
          %add3A_516 = arith.addf %add3A_489, %unpack3A_514 : vector<16xf32>
          %gather3A_517 = tpu.vector_load_idx %arg10[%add3A_97, %and3A_505] : memref<80x64xi32, #tpu.memory_space<vmem>>[vector<16xi32>, vector<16xi32>], vector<16xi32>,
          %gather3A_518 = tpu.vector_load_idx %arg11[%add3A_97, %and3A_505] : memref<80x64xi32, #tpu.memory_space<vmem>>[vector<16xi32>, vector<16xi32>], vector<16xi32>,
          %add3A_519 = arith.constant 1 : i32
          %add3A_520 = vector.broadcast %add3A_519 : i32 to vector<16xi32>
          %add3A_521 = arith.addi %and3A_505, %add3A_520 : vector<16xi32>
          %and3A_522 = arith.constant 63 : i32
          %and3A_523 = vector.broadcast %and3A_522 : i32 to vector<16xi32>
          %and3A_524 = arith.andi %add3A_521, %and3A_523 : vector<16xi32>
          %gather3A_525 = tpu.vector_load_idx %arg10[%add3A_97, %and3A_524] : memref<80x64xi32, #tpu.memory_space<vmem>>[vector<16xi32>, vector<16xi32>], vector<16xi32>,
          %gather3A_526 = tpu.vector_load_idx %arg11[%add3A_97, %and3A_524] : memref<80x64xi32, #tpu.memory_space<vmem>>[vector<16xi32>, vector<16xi32>], vector<16xi32>,
          %add3A_527 = arith.constant 2 : i32
          %add3A_528 = vector.broadcast %add3A_527 : i32 to vector<16xi32>
          %add3A_529 = arith.addi %and3A_505, %add3A_528 : vector<16xi32>
          %and3A_530 = arith.constant 63 : i32
          %and3A_531 = vector.broadcast %and3A_530 : i32 to vector<16xi32>
          %and3A_532 = arith.andi %add3A_529, %and3A_531 : vector<16xi32>
          %bitcast3A_533 = vector.bitcast %gather3A_517 : vector<16xi32> to vector<32xbf16>
          %bitcast3A_534 = vector.bitcast %gather3A_518 : vector<16xi32> to vector<32xbf16>
          %mul3A_535 = arith.mulf %bitcast3A_533, %bitcast3A_534 : vector<32xbf16>
          %bitcast3A_536 = vector.bitcast %gather3A_525 : vector<16xi32> to vector<32xbf16>
          %bitcast3A_537 = vector.bitcast %gather3A_526 : vector<16xi32> to vector<32xbf16>
          %mul3A_538 = arith.mulf %bitcast3A_536, %bitcast3A_537 : vector<32xbf16>
          %add3A_539 = arith.addf %mul3A_535, %mul3A_538 : vector<32xbf16>
          %unpack3A_540 = tpu.unpack_subelements %add3A_539, 0 {pack_format = #tpu.pack_format<interleaved>} : vector<32xbf16> -> vector<16xf32>
          %unpack3A_541 = tpu.unpack_subelements %add3A_539, 1 {pack_format = #tpu.pack_format<interleaved>} : vector<32xbf16> -> vector<16xf32>
          %add3A_542 = arith.addf %add3A_515, %unpack3A_540 : vector<16xf32>
          %add3A_543 = arith.addf %add3A_516, %unpack3A_541 : vector<16xf32>
          scf.yield %and3A_532, %add3A_542, %add3A_543 : vector<16xi32>, vector<16xf32>, vector<16xf32>
        }
        %scan3A_104 = arith.constant 2 : i32
        %add3A_105 = arith.addf %scan3A_103#1, %scan3A_103#2 : vector<16xf32>
        %mul3A_106 = arith.constant 80 : i32
        %mul3A_107 = arith.muli %add3A_86, %mul3A_106 : i32
        %mul3A_108 = arith.constant 16 : i32
        %mul3A_109 = arith.muli %scan3A_93, %mul3A_108 : i32
        %add3A_110 = arith.addi %mul3A_107, %mul3A_109 : i32
        %swap3A = arith.index_cast %add3A_110 : i32 to index
        %swap3A_111 = tpu.vector_load %arg12[%swap3A] {strides = array<i32>} : memref<10000xf32, #tpu.memory_space<vmem>>, vector<16xf32>,
        tpu.vector_store %arg12[%swap3A], %add3A_105 {strides = array<i32>} : memref<10000xf32, #tpu.memory_space<vmem>>, vector<16xf32>,
      }
      %scan3A_92 = arith.constant 5 : i32
    }
    %scan3A_16 = arith.constant 62 : i32
    %dma_wait3A = arith.constant 0 : i32
    %dma_wait3A_17 = tpu.memref_slice %arg6[%dma_wait3A] : memref<10000xi32, #tpu.memory_space<vmem>> -> memref<80xi32, #tpu.memory_space<vmem>>
    %dma_wait3A_18 = arith.constant 0 : i32
    %dma_wait3A_19 = arith.constant 0 : i32
    %dma_wait3A_20 = tpu.memref_slice %arg2[%dma_wait3A_18, %dma_wait3A_19] : memref<10240x64xi32, #tpu.memory_space<hbm>> -> memref<10240x64xi32, #tpu.memory_space<hbm>>
    tpu.wait_indirect_dma semaphore(%arg13 : memref<!tpu.dma_semaphore, #tpu.memory_space<semaphore_mem>>) src(%dma_wait3A_20 : memref<10240x64xi32, #tpu.memory_space<hbm>>) dst(%arg8 : memref<80x64xi32, #tpu.memory_space<vmem>>)
    %dma_wait3A_21 = arith.constant 0 : i32
    %dma_wait3A_22 = tpu.memref_slice %arg7[%dma_wait3A_21] : memref<10000xi32, #tpu.memory_space<vmem>> -> memref<80xi32, #tpu.memory_space<vmem>>
    %dma_wait3A_23 = arith.constant 0 : i32
    %dma_wait3A_24 = arith.constant 0 : i32
    %dma_wait3A_25 = tpu.memref_slice %arg2[%dma_wait3A_23, %dma_wait3A_24] : memref<10240x64xi32, #tpu.memory_space<hbm>> -> memref<10240x64xi32, #tpu.memory_space<hbm>>
    tpu.wait_indirect_dma semaphore(%arg13 : memref<!tpu.dma_semaphore, #tpu.memory_space<semaphore_mem>>) src(%dma_wait3A_25 : memref<10240x64xi32, #tpu.memory_space<hbm>>) dst(%arg9 : memref<80x64xi32, #tpu.memory_space<vmem>>)
    %scan3A_26 = arith.constant 0 : i32
    %scan3A_27 = arith.constant 0 : i32
    %scan3A_28 = arith.constant 5 : i32
    %scan3A_29 = arith.addi %scan3A_27, %scan3A_28 : i32
    %scan3A_30 = arith.constant 1 : i32
    scf.for %scan3A_32 = %scan3A_27 to %scan3A_29 step %scan3A_30  : i32 {
      %mul3A_33 = arith.constant 16 : i32
      %mul3A_34 = arith.muli %scan3A_32, %mul3A_33 : i32
      %add3A_35 = vector.broadcast %mul3A_34 : i32 to vector<16xi32>
      %add3A_36 = arith.addi %add3A_35, %iota3A : vector<16xi32>
      %broadcast_in_dim3A = arith.constant 0.000000e+00 : f32
      %broadcast_in_dim3A_37 = vector.broadcast %broadcast_in_dim3A : f32 to vector<16xf32>
      %scan3A_38 = arith.constant 0 : i32
      %scan3A_39 = arith.constant 2 : i32
      %scan3A_40 = arith.addi %scan3A_38, %scan3A_39 : i32
      %scan3A_41 = arith.constant 1 : i32
      %scan3A_42:3 = scf.for %scan3A_50 = %scan3A_38 to %scan3A_40 step %scan3A_41 iter_args(%scan3A_51 = %iota3A, %scan3A_52 = %broadcast_in_dim3A_37, %scan3A_53 = %broadcast_in_dim3A_37) -> (vector<16xi32>, vector<16xf32>, vector<16xf32>)  : i32 {
        %gather3A = tpu.vector_load_idx %arg8[%add3A_36, %scan3A_51] : memref<80x64xi32, #tpu.memory_space<vmem>>[vector<16xi32>, vector<16xi32>], vector<16xi32>,
        %gather3A_54 = tpu.vector_load_idx %arg9[%add3A_36, %scan3A_51] : memref<80x64xi32, #tpu.memory_space<vmem>>[vector<16xi32>, vector<16xi32>], vector<16xi32>,
        %add3A_55 = arith.constant 1 : i32
        %add3A_56 = vector.broadcast %add3A_55 : i32 to vector<16xi32>
        %add3A_57 = arith.addi %scan3A_51, %add3A_56 : vector<16xi32>
        %and3A = arith.constant 63 : i32
        %and3A_58 = vector.broadcast %and3A : i32 to vector<16xi32>
        %and3A_59 = arith.andi %add3A_57, %and3A_58 : vector<16xi32>
        %gather3A_60 = tpu.vector_load_idx %arg8[%add3A_36, %and3A_59] : memref<80x64xi32, #tpu.memory_space<vmem>>[vector<16xi32>, vector<16xi32>], vector<16xi32>,
        %gather3A_61 = tpu.vector_load_idx %arg9[%add3A_36, %and3A_59] : memref<80x64xi32, #tpu.memory_space<vmem>>[vector<16xi32>, vector<16xi32>], vector<16xi32>,
        %add3A_62 = arith.constant 2 : i32
        %add3A_63 = vector.broadcast %add3A_62 : i32 to vector<16xi32>
        %add3A_64 = arith.addi %scan3A_51, %add3A_63 : vector<16xi32>
        %and3A_65 = arith.constant 63 : i32
        %and3A_66 = vector.broadcast %and3A_65 : i32 to vector<16xi32>
        %and3A_67 = arith.andi %add3A_64, %and3A_66 : vector<16xi32>
        %bitcast3A = vector.bitcast %gather3A : vector<16xi32> to vector<32xbf16>
        %bitcast3A_68 = vector.bitcast %gather3A_54 : vector<16xi32> to vector<32xbf16>
        %mul3A_69 = arith.mulf %bitcast3A, %bitcast3A_68 : vector<32xbf16>
        %bitcast3A_70 = vector.bitcast %gather3A_60 : vector<16xi32> to vector<32xbf16>
        %bitcast3A_71 = vector.bitcast %gather3A_61 : vector<16xi32> to vector<32xbf16>
        %mul3A_72 = arith.mulf %bitcast3A_70, %bitcast3A_71 : vector<32xbf16>
        %add3A_73 = arith.addf %mul3A_69, %mul3A_72 : vector<32xbf16>
        %unpack3A = tpu.unpack_subelements %add3A_73, 0 {pack_format = #tpu.pack_format<interleaved>} : vector<32xbf16> -> vector<16xf32>
        %unpack3A_74 = tpu.unpack_subelements %add3A_73, 1 {pack_format = #tpu.pack_format<interleaved>} : vector<32xbf16> -> vector<16xf32>
        %add3A_75 = arith.addf %scan3A_52, %unpack3A : vector<16xf32>
        %add3A_76 = arith.addf %scan3A_53, %unpack3A_74 : vector<16xf32>
        %gather3A_77 = tpu.vector_load_idx %arg8[%add3A_36, %and3A_67] : memref<80x64xi32, #tpu.memory_space<vmem>>[vector<16xi32>, vector<16xi32>], vector<16xi32>,
        %gather3A_78 = tpu.vector_load_idx %arg9[%add3A_36, %and3A_67] : memref<80x64xi32, #tpu.memory_space<vmem>>[vector<16xi32>, vector<16xi32>], vector<16xi32>,
        %add3A_79 = arith.constant 1 : i32
        %add3A_80 = vector.broadcast %add3A_79 : i32 to vector<16xi32>
        %add3A_81 = arith.addi %and3A_67, %add3A_80 : vector<16xi32>
        %and3A_82 = arith.constant 63 : i32
        %and3A_83 = vector.broadcast %and3A_82 : i32 to vector<16xi32>
        %and3A_84 = arith.andi %add3A_81, %and3A_83 : vector<16xi32>
        %gather3A_85 = tpu.vector_load_idx %arg8[%add3A_36, %and3A_84] : memref<80x64xi32, #tpu.memory_space<vmem>>[vector<16xi32>, vector<16xi32>], vector<16xi32>,
        %gather3A_86 = tpu.vector_load_idx %arg9[%add3A_36, %and3A_84] : memref<80x64xi32, #tpu.memory_space<vmem>>[vector<16xi32>, vector<16xi32>], vector<16xi32>,
        %add3A_87 = arith.constant 2 : i32
        %add3A_88 = vector.broadcast %add3A_87 : i32 to vector<16xi32>
        %add3A_89 = arith.addi %and3A_67, %add3A_88 : vector<16xi32>
        %and3A_90 = arith.constant 63 : i32
        %and3A_91 = vector.broadcast %and3A_90 : i32 to vector<16xi32>
        %and3A_92 = arith.andi %add3A_89, %and3A_91 : vector<16xi32>
        %bitcast3A_93 = vector.bitcast %gather3A_77 : vector<16xi32> to vector<32xbf16>
        %bitcast3A_94 = vector.bitcast %gather3A_78 : vector<16xi32> to vector<32xbf16>
        %mul3A_95 = arith.mulf %bitcast3A_93, %bitcast3A_94 : vector<32xbf16>
        %bitcast3A_96 = vector.bitcast %gather3A_85 : vector<16xi32> to vector<32xbf16>
        %bitcast3A_97 = vector.bitcast %gather3A_86 : vector<16xi32> to vector<32xbf16>
        %mul3A_98 = arith.mulf %bitcast3A_96, %bitcast3A_97 : vector<32xbf16>
        %add3A_99 = arith.addf %mul3A_95, %mul3A_98 : vector<32xbf16>
        %unpack3A_100 = tpu.unpack_subelements %add3A_99, 0 {pack_format = #tpu.pack_format<interleaved>} : vector<32xbf16> -> vector<16xf32>
        %unpack3A_101 = tpu.unpack_subelements %add3A_99, 1 {pack_format = #tpu.pack_format<interleaved>} : vector<32xbf16> -> vector<16xf32>
        %add3A_102 = arith.addf %add3A_75, %unpack3A_100 : vector<16xf32>
        %add3A_103 = arith.addf %add3A_76, %unpack3A_101 : vector<16xf32>
        %gather3A_104 = tpu.vector_load_idx %arg8[%add3A_36, %and3A_92] : memref<80x64xi32, #tpu.memory_space<vmem>>[vector<16xi32>, vector<16xi32>], vector<16xi32>,
        %gather3A_105 = tpu.vector_load_idx %arg9[%add3A_36, %and3A_92] : memref<80x64xi32, #tpu.memory_space<vmem>>[vector<16xi32>, vector<16xi32>], vector<16xi32>,
        %add3A_106 = arith.constant 1 : i32
        %add3A_107 = vector.broadcast %add3A_106 : i32 to vector<16xi32>
        %add3A_108 = arith.addi %and3A_92, %add3A_107 : vector<16xi32>
        %and3A_109 = arith.constant 63 : i32
        %and3A_110 = vector.broadcast %and3A_109 : i32 to vector<16xi32>
        %and3A_111 = arith.andi %add3A_108, %and3A_110 : vector<16xi32>
        %gather3A_112 = tpu.vector_load_idx %arg8[%add3A_36, %and3A_111] : memref<80x64xi32, #tpu.memory_space<vmem>>[vector<16xi32>, vector<16xi32>], vector<16xi32>,
        %gather3A_113 = tpu.vector_load_idx %arg9[%add3A_36, %and3A_111] : memref<80x64xi32, #tpu.memory_space<vmem>>[vector<16xi32>, vector<16xi32>], vector<16xi32>,
        %add3A_114 = arith.constant 2 : i32
        %add3A_115 = vector.broadcast %add3A_114 : i32 to vector<16xi32>
        %add3A_116 = arith.addi %and3A_92, %add3A_115 : vector<16xi32>
        %and3A_117 = arith.constant 63 : i32
        %and3A_118 = vector.broadcast %and3A_117 : i32 to vector<16xi32>
        %and3A_119 = arith.andi %add3A_116, %and3A_118 : vector<16xi32>
        %bitcast3A_120 = vector.bitcast %gather3A_104 : vector<16xi32> to vector<32xbf16>
        %bitcast3A_121 = vector.bitcast %gather3A_105 : vector<16xi32> to vector<32xbf16>
        %mul3A_122 = arith.mulf %bitcast3A_120, %bitcast3A_121 : vector<32xbf16>
        %bitcast3A_123 = vector.bitcast %gather3A_112 : vector<16xi32> to vector<32xbf16>
        %bitcast3A_124 = vector.bitcast %gather3A_113 : vector<16xi32> to vector<32xbf16>
        %mul3A_125 = arith.mulf %bitcast3A_123, %bitcast3A_124 : vector<32xbf16>
        %add3A_126 = arith.addf %mul3A_122, %mul3A_125 : vector<32xbf16>
        %unpack3A_127 = tpu.unpack_subelements %add3A_126, 0 {pack_format = #tpu.pack_format<interleaved>} : vector<32xbf16> -> vector<16xf32>
        %unpack3A_128 = tpu.unpack_subelements %add3A_126, 1 {pack_format = #tpu.pack_format<interleaved>} : vector<32xbf16> -> vector<16xf32>
        %add3A_129 = arith.addf %add3A_102, %unpack3A_127 : vector<16xf32>
        %add3A_130 = arith.addf %add3A_103, %unpack3A_128 : vector<16xf32>
        %gather3A_131 = tpu.vector_load_idx %arg8[%add3A_36, %and3A_119] : memref<80x64xi32, #tpu.memory_space<vmem>>[vector<16xi32>, vector<16xi32>], vector<16xi32>,
        %gather3A_132 = tpu.vector_load_idx %arg9[%add3A_36, %and3A_119] : memref<80x64xi32, #tpu.memory_space<vmem>>[vector<16xi32>, vector<16xi32>], vector<16xi32>,
        %add3A_133 = arith.constant 1 : i32
        %add3A_134 = vector.broadcast %add3A_133 : i32 to vector<16xi32>
        %add3A_135 = arith.addi %and3A_119, %add3A_134 : vector<16xi32>
        %and3A_136 = arith.constant 63 : i32
        %and3A_137 = vector.broadcast %and3A_136 : i32 to vector<16xi32>
        %and3A_138 = arith.andi %add3A_135, %and3A_137 : vector<16xi32>
        %gather3A_139 = tpu.vector_load_idx %arg8[%add3A_36, %and3A_138] : memref<80x64xi32, #tpu.memory_space<vmem>>[vector<16xi32>, vector<16xi32>], vector<16xi32>,
        %gather3A_140 = tpu.vector_load_idx %arg9[%add3A_36, %and3A_138] : memref<80x64xi32, #tpu.memory_space<vmem>>[vector<16xi32>, vector<16xi32>], vector<16xi32>,
        %add3A_141 = arith.constant 2 : i32
        %add3A_142 = vector.broadcast %add3A_141 : i32 to vector<16xi32>
        %add3A_143 = arith.addi %and3A_119, %add3A_142 : vector<16xi32>
        %and3A_144 = arith.constant 63 : i32
        %and3A_145 = vector.broadcast %and3A_144 : i32 to vector<16xi32>
        %and3A_146 = arith.andi %add3A_143, %and3A_145 : vector<16xi32>
        %bitcast3A_147 = vector.bitcast %gather3A_131 : vector<16xi32> to vector<32xbf16>
        %bitcast3A_148 = vector.bitcast %gather3A_132 : vector<16xi32> to vector<32xbf16>
        %mul3A_149 = arith.mulf %bitcast3A_147, %bitcast3A_148 : vector<32xbf16>
        %bitcast3A_150 = vector.bitcast %gather3A_139 : vector<16xi32> to vector<32xbf16>
        %bitcast3A_151 = vector.bitcast %gather3A_140 : vector<16xi32> to vector<32xbf16>
        %mul3A_152 = arith.mulf %bitcast3A_150, %bitcast3A_151 : vector<32xbf16>
        %add3A_153 = arith.addf %mul3A_149, %mul3A_152 : vector<32xbf16>
        %unpack3A_154 = tpu.unpack_subelements %add3A_153, 0 {pack_format = #tpu.pack_format<interleaved>} : vector<32xbf16> -> vector<16xf32>
        %unpack3A_155 = tpu.unpack_subelements %add3A_153, 1 {pack_format = #tpu.pack_format<interleaved>} : vector<32xbf16> -> vector<16xf32>
        %add3A_156 = arith.addf %add3A_129, %unpack3A_154 : vector<16xf32>
        %add3A_157 = arith.addf %add3A_130, %unpack3A_155 : vector<16xf32>
        %gather3A_158 = tpu.vector_load_idx %arg8[%add3A_36, %and3A_146] : memref<80x64xi32, #tpu.memory_space<vmem>>[vector<16xi32>, vector<16xi32>], vector<16xi32>,
        %gather3A_159 = tpu.vector_load_idx %arg9[%add3A_36, %and3A_146] : memref<80x64xi32, #tpu.memory_space<vmem>>[vector<16xi32>, vector<16xi32>], vector<16xi32>,
        %add3A_160 = arith.constant 1 : i32
        %add3A_161 = vector.broadcast %add3A_160 : i32 to vector<16xi32>
        %add3A_162 = arith.addi %and3A_146, %add3A_161 : vector<16xi32>
        %and3A_163 = arith.constant 63 : i32
        %and3A_164 = vector.broadcast %and3A_163 : i32 to vector<16xi32>
        %and3A_165 = arith.andi %add3A_162, %and3A_164 : vector<16xi32>
        %gather3A_166 = tpu.vector_load_idx %arg8[%add3A_36, %and3A_165] : memref<80x64xi32, #tpu.memory_space<vmem>>[vector<16xi32>, vector<16xi32>], vector<16xi32>,
        %gather3A_167 = tpu.vector_load_idx %arg9[%add3A_36, %and3A_165] : memref<80x64xi32, #tpu.memory_space<vmem>>[vector<16xi32>, vector<16xi32>], vector<16xi32>,
        %add3A_168 = arith.constant 2 : i32
        %add3A_169 = vector.broadcast %add3A_168 : i32 to vector<16xi32>
        %add3A_170 = arith.addi %and3A_146, %add3A_169 : vector<16xi32>
        %and3A_171 = arith.constant 63 : i32
        %and3A_172 = vector.broadcast %and3A_171 : i32 to vector<16xi32>
        %and3A_173 = arith.andi %add3A_170, %and3A_172 : vector<16xi32>
        %bitcast3A_174 = vector.bitcast %gather3A_158 : vector<16xi32> to vector<32xbf16>
        %bitcast3A_175 = vector.bitcast %gather3A_159 : vector<16xi32> to vector<32xbf16>
        %mul3A_176 = arith.mulf %bitcast3A_174, %bitcast3A_175 : vector<32xbf16>
        %bitcast3A_177 = vector.bitcast %gather3A_166 : vector<16xi32> to vector<32xbf16>
        %bitcast3A_178 = vector.bitcast %gather3A_167 : vector<16xi32> to vector<32xbf16>
        %mul3A_179 = arith.mulf %bitcast3A_177, %bitcast3A_178 : vector<32xbf16>
        %add3A_180 = arith.addf %mul3A_176, %mul3A_179 : vector<32xbf16>
        %unpack3A_181 = tpu.unpack_subelements %add3A_180, 0 {pack_format = #tpu.pack_format<interleaved>} : vector<32xbf16> -> vector<16xf32>
        %unpack3A_182 = tpu.unpack_subelements %add3A_180, 1 {pack_format = #tpu.pack_format<interleaved>} : vector<32xbf16> -> vector<16xf32>
        %add3A_183 = arith.addf %add3A_156, %unpack3A_181 : vector<16xf32>
        %add3A_184 = arith.addf %add3A_157, %unpack3A_182 : vector<16xf32>
        %gather3A_185 = tpu.vector_load_idx %arg8[%add3A_36, %and3A_173] : memref<80x64xi32, #tpu.memory_space<vmem>>[vector<16xi32>, vector<16xi32>], vector<16xi32>,
        %gather3A_186 = tpu.vector_load_idx %arg9[%add3A_36, %and3A_173] : memref<80x64xi32, #tpu.memory_space<vmem>>[vector<16xi32>, vector<16xi32>], vector<16xi32>,
        %add3A_187 = arith.constant 1 : i32
        %add3A_188 = vector.broadcast %add3A_187 : i32 to vector<16xi32>
        %add3A_189 = arith.addi %and3A_173, %add3A_188 : vector<16xi32>
        %and3A_190 = arith.constant 63 : i32
        %and3A_191 = vector.broadcast %and3A_190 : i32 to vector<16xi32>
        %and3A_192 = arith.andi %add3A_189, %and3A_191 : vector<16xi32>
        %gather3A_193 = tpu.vector_load_idx %arg8[%add3A_36, %and3A_192] : memref<80x64xi32, #tpu.memory_space<vmem>>[vector<16xi32>, vector<16xi32>], vector<16xi32>,
        %gather3A_194 = tpu.vector_load_idx %arg9[%add3A_36, %and3A_192] : memref<80x64xi32, #tpu.memory_space<vmem>>[vector<16xi32>, vector<16xi32>], vector<16xi32>,
        %add3A_195 = arith.constant 2 : i32
        %add3A_196 = vector.broadcast %add3A_195 : i32 to vector<16xi32>
        %add3A_197 = arith.addi %and3A_173, %add3A_196 : vector<16xi32>
        %and3A_198 = arith.constant 63 : i32
        %and3A_199 = vector.broadcast %and3A_198 : i32 to vector<16xi32>
        %and3A_200 = arith.andi %add3A_197, %and3A_199 : vector<16xi32>
        %bitcast3A_201 = vector.bitcast %gather3A_185 : vector<16xi32> to vector<32xbf16>
        %bitcast3A_202 = vector.bitcast %gather3A_186 : vector<16xi32> to vector<32xbf16>
        %mul3A_203 = arith.mulf %bitcast3A_201, %bitcast3A_202 : vector<32xbf16>
        %bitcast3A_204 = vector.bitcast %gather3A_193 : vector<16xi32> to vector<32xbf16>
        %bitcast3A_205 = vector.bitcast %gather3A_194 : vector<16xi32> to vector<32xbf16>
        %mul3A_206 = arith.mulf %bitcast3A_204, %bitcast3A_205 : vector<32xbf16>
        %add3A_207 = arith.addf %mul3A_203, %mul3A_206 : vector<32xbf16>
        %unpack3A_208 = tpu.unpack_subelements %add3A_207, 0 {pack_format = #tpu.pack_format<interleaved>} : vector<32xbf16> -> vector<16xf32>
        %unpack3A_209 = tpu.unpack_subelements %add3A_207, 1 {pack_format = #tpu.pack_format<interleaved>} : vector<32xbf16> -> vector<16xf32>
        %add3A_210 = arith.addf %add3A_183, %unpack3A_208 : vector<16xf32>
        %add3A_211 = arith.addf %add3A_184, %unpack3A_209 : vector<16xf32>
        %gather3A_212 = tpu.vector_load_idx %arg8[%add3A_36, %and3A_200] : memref<80x64xi32, #tpu.memory_space<vmem>>[vector<16xi32>, vector<16xi32>], vector<16xi32>,
        %gather3A_213 = tpu.vector_load_idx %arg9[%add3A_36, %and3A_200] : memref<80x64xi32, #tpu.memory_space<vmem>>[vector<16xi32>, vector<16xi32>], vector<16xi32>,
        %add3A_214 = arith.constant 1 : i32
        %add3A_215 = vector.broadcast %add3A_214 : i32 to vector<16xi32>
        %add3A_216 = arith.addi %and3A_200, %add3A_215 : vector<16xi32>
        %and3A_217 = arith.constant 63 : i32
        %and3A_218 = vector.broadcast %and3A_217 : i32 to vector<16xi32>
        %and3A_219 = arith.andi %add3A_216, %and3A_218 : vector<16xi32>
        %gather3A_220 = tpu.vector_load_idx %arg8[%add3A_36, %and3A_219] : memref<80x64xi32, #tpu.memory_space<vmem>>[vector<16xi32>, vector<16xi32>], vector<16xi32>,
        %gather3A_221 = tpu.vector_load_idx %arg9[%add3A_36, %and3A_219] : memref<80x64xi32, #tpu.memory_space<vmem>>[vector<16xi32>, vector<16xi32>], vector<16xi32>,
        %add3A_222 = arith.constant 2 : i32
        %add3A_223 = vector.broadcast %add3A_222 : i32 to vector<16xi32>
        %add3A_224 = arith.addi %and3A_200, %add3A_223 : vector<16xi32>
        %and3A_225 = arith.constant 63 : i32
        %and3A_226 = vector.broadcast %and3A_225 : i32 to vector<16xi32>
        %and3A_227 = arith.andi %add3A_224, %and3A_226 : vector<16xi32>
        %bitcast3A_228 = vector.bitcast %gather3A_212 : vector<16xi32> to vector<32xbf16>
        %bitcast3A_229 = vector.bitcast %gather3A_213 : vector<16xi32> to vector<32xbf16>
        %mul3A_230 = arith.mulf %bitcast3A_228, %bitcast3A_229 : vector<32xbf16>
        %bitcast3A_231 = vector.bitcast %gather3A_220 : vector<16xi32> to vector<32xbf16>
        %bitcast3A_232 = vector.bitcast %gather3A_221 : vector<16xi32> to vector<32xbf16>
        %mul3A_233 = arith.mulf %bitcast3A_231, %bitcast3A_232 : vector<32xbf16>
        %add3A_234 = arith.addf %mul3A_230, %mul3A_233 : vector<32xbf16>
        %unpack3A_235 = tpu.unpack_subelements %add3A_234, 0 {pack_format = #tpu.pack_format<interleaved>} : vector<32xbf16> -> vector<16xf32>
        %unpack3A_236 = tpu.unpack_subelements %add3A_234, 1 {pack_format = #tpu.pack_format<interleaved>} : vector<32xbf16> -> vector<16xf32>
        %add3A_237 = arith.addf %add3A_210, %unpack3A_235 : vector<16xf32>
        %add3A_238 = arith.addf %add3A_211, %unpack3A_236 : vector<16xf32>
        %gather3A_239 = tpu.vector_load_idx %arg8[%add3A_36, %and3A_227] : memref<80x64xi32, #tpu.memory_space<vmem>>[vector<16xi32>, vector<16xi32>], vector<16xi32>,
        %gather3A_240 = tpu.vector_load_idx %arg9[%add3A_36, %and3A_227] : memref<80x64xi32, #tpu.memory_space<vmem>>[vector<16xi32>, vector<16xi32>], vector<16xi32>,
        %add3A_241 = arith.constant 1 : i32
        %add3A_242 = vector.broadcast %add3A_241 : i32 to vector<16xi32>
        %add3A_243 = arith.addi %and3A_227, %add3A_242 : vector<16xi32>
        %and3A_244 = arith.constant 63 : i32
        %and3A_245 = vector.broadcast %and3A_244 : i32 to vector<16xi32>
        %and3A_246 = arith.andi %add3A_243, %and3A_245 : vector<16xi32>
        %gather3A_247 = tpu.vector_load_idx %arg8[%add3A_36, %and3A_246] : memref<80x64xi32, #tpu.memory_space<vmem>>[vector<16xi32>, vector<16xi32>], vector<16xi32>,
        %gather3A_248 = tpu.vector_load_idx %arg9[%add3A_36, %and3A_246] : memref<80x64xi32, #tpu.memory_space<vmem>>[vector<16xi32>, vector<16xi32>], vector<16xi32>,
        %add3A_249 = arith.constant 2 : i32
        %add3A_250 = vector.broadcast %add3A_249 : i32 to vector<16xi32>
        %add3A_251 = arith.addi %and3A_227, %add3A_250 : vector<16xi32>
        %and3A_252 = arith.constant 63 : i32
        %and3A_253 = vector.broadcast %and3A_252 : i32 to vector<16xi32>
        %and3A_254 = arith.andi %add3A_251, %and3A_253 : vector<16xi32>
        %bitcast3A_255 = vector.bitcast %gather3A_239 : vector<16xi32> to vector<32xbf16>
        %bitcast3A_256 = vector.bitcast %gather3A_240 : vector<16xi32> to vector<32xbf16>
        %mul3A_257 = arith.mulf %bitcast3A_255, %bitcast3A_256 : vector<32xbf16>
        %bitcast3A_258 = vector.bitcast %gather3A_247 : vector<16xi32> to vector<32xbf16>
        %bitcast3A_259 = vector.bitcast %gather3A_248 : vector<16xi32> to vector<32xbf16>
        %mul3A_260 = arith.mulf %bitcast3A_258, %bitcast3A_259 : vector<32xbf16>
        %add3A_261 = arith.addf %mul3A_257, %mul3A_260 : vector<32xbf16>
        %unpack3A_262 = tpu.unpack_subelements %add3A_261, 0 {pack_format = #tpu.pack_format<interleaved>} : vector<32xbf16> -> vector<16xf32>
        %unpack3A_263 = tpu.unpack_subelements %add3A_261, 1 {pack_format = #tpu.pack_format<interleaved>} : vector<32xbf16> -> vector<16xf32>
        %add3A_264 = arith.addf %add3A_237, %unpack3A_262 : vector<16xf32>
        %add3A_265 = arith.addf %add3A_238, %unpack3A_263 : vector<16xf32>
        %gather3A_266 = tpu.vector_load_idx %arg8[%add3A_36, %and3A_254] : memref<80x64xi32, #tpu.memory_space<vmem>>[vector<16xi32>, vector<16xi32>], vector<16xi32>,
        %gather3A_267 = tpu.vector_load_idx %arg9[%add3A_36, %and3A_254] : memref<80x64xi32, #tpu.memory_space<vmem>>[vector<16xi32>, vector<16xi32>], vector<16xi32>,
        %add3A_268 = arith.constant 1 : i32
        %add3A_269 = vector.broadcast %add3A_268 : i32 to vector<16xi32>
        %add3A_270 = arith.addi %and3A_254, %add3A_269 : vector<16xi32>
        %and3A_271 = arith.constant 63 : i32
        %and3A_272 = vector.broadcast %and3A_271 : i32 to vector<16xi32>
        %and3A_273 = arith.andi %add3A_270, %and3A_272 : vector<16xi32>
        %gather3A_274 = tpu.vector_load_idx %arg8[%add3A_36, %and3A_273] : memref<80x64xi32, #tpu.memory_space<vmem>>[vector<16xi32>, vector<16xi32>], vector<16xi32>,
        %gather3A_275 = tpu.vector_load_idx %arg9[%add3A_36, %and3A_273] : memref<80x64xi32, #tpu.memory_space<vmem>>[vector<16xi32>, vector<16xi32>], vector<16xi32>,
        %add3A_276 = arith.constant 2 : i32
        %add3A_277 = vector.broadcast %add3A_276 : i32 to vector<16xi32>
        %add3A_278 = arith.addi %and3A_254, %add3A_277 : vector<16xi32>
        %and3A_279 = arith.constant 63 : i32
        %and3A_280 = vector.broadcast %and3A_279 : i32 to vector<16xi32>
        %and3A_281 = arith.andi %add3A_278, %and3A_280 : vector<16xi32>
        %bitcast3A_282 = vector.bitcast %gather3A_266 : vector<16xi32> to vector<32xbf16>
        %bitcast3A_283 = vector.bitcast %gather3A_267 : vector<16xi32> to vector<32xbf16>
        %mul3A_284 = arith.mulf %bitcast3A_282, %bitcast3A_283 : vector<32xbf16>
        %bitcast3A_285 = vector.bitcast %gather3A_274 : vector<16xi32> to vector<32xbf16>
        %bitcast3A_286 = vector.bitcast %gather3A_275 : vector<16xi32> to vector<32xbf16>
        %mul3A_287 = arith.mulf %bitcast3A_285, %bitcast3A_286 : vector<32xbf16>
        %add3A_288 = arith.addf %mul3A_284, %mul3A_287 : vector<32xbf16>
        %unpack3A_289 = tpu.unpack_subelements %add3A_288, 0 {pack_format = #tpu.pack_format<interleaved>} : vector<32xbf16> -> vector<16xf32>
        %unpack3A_290 = tpu.unpack_subelements %add3A_288, 1 {pack_format = #tpu.pack_format<interleaved>} : vector<32xbf16> -> vector<16xf32>
        %add3A_291 = arith.addf %add3A_264, %unpack3A_289 : vector<16xf32>
        %add3A_292 = arith.addf %add3A_265, %unpack3A_290 : vector<16xf32>
        %gather3A_293 = tpu.vector_load_idx %arg8[%add3A_36, %and3A_281] : memref<80x64xi32, #tpu.memory_space<vmem>>[vector<16xi32>, vector<16xi32>], vector<16xi32>,
        %gather3A_294 = tpu.vector_load_idx %arg9[%add3A_36, %and3A_281] : memref<80x64xi32, #tpu.memory_space<vmem>>[vector<16xi32>, vector<16xi32>], vector<16xi32>,
        %add3A_295 = arith.constant 1 : i32
        %add3A_296 = vector.broadcast %add3A_295 : i32 to vector<16xi32>
        %add3A_297 = arith.addi %and3A_281, %add3A_296 : vector<16xi32>
        %and3A_298 = arith.constant 63 : i32
        %and3A_299 = vector.broadcast %and3A_298 : i32 to vector<16xi32>
        %and3A_300 = arith.andi %add3A_297, %and3A_299 : vector<16xi32>
        %gather3A_301 = tpu.vector_load_idx %arg8[%add3A_36, %and3A_300] : memref<80x64xi32, #tpu.memory_space<vmem>>[vector<16xi32>, vector<16xi32>], vector<16xi32>,
        %gather3A_302 = tpu.vector_load_idx %arg9[%add3A_36, %and3A_300] : memref<80x64xi32, #tpu.memory_space<vmem>>[vector<16xi32>, vector<16xi32>], vector<16xi32>,
        %add3A_303 = arith.constant 2 : i32
        %add3A_304 = vector.broadcast %add3A_303 : i32 to vector<16xi32>
        %add3A_305 = arith.addi %and3A_281, %add3A_304 : vector<16xi32>
        %and3A_306 = arith.constant 63 : i32
        %and3A_307 = vector.broadcast %and3A_306 : i32 to vector<16xi32>
        %and3A_308 = arith.andi %add3A_305, %and3A_307 : vector<16xi32>
        %bitcast3A_309 = vector.bitcast %gather3A_293 : vector<16xi32> to vector<32xbf16>
        %bitcast3A_310 = vector.bitcast %gather3A_294 : vector<16xi32> to vector<32xbf16>
        %mul3A_311 = arith.mulf %bitcast3A_309, %bitcast3A_310 : vector<32xbf16>
        %bitcast3A_312 = vector.bitcast %gather3A_301 : vector<16xi32> to vector<32xbf16>
        %bitcast3A_313 = vector.bitcast %gather3A_302 : vector<16xi32> to vector<32xbf16>
        %mul3A_314 = arith.mulf %bitcast3A_312, %bitcast3A_313 : vector<32xbf16>
        %add3A_315 = arith.addf %mul3A_311, %mul3A_314 : vector<32xbf16>
        %unpack3A_316 = tpu.unpack_subelements %add3A_315, 0 {pack_format = #tpu.pack_format<interleaved>} : vector<32xbf16> -> vector<16xf32>
        %unpack3A_317 = tpu.unpack_subelements %add3A_315, 1 {pack_format = #tpu.pack_format<interleaved>} : vector<32xbf16> -> vector<16xf32>
        %add3A_318 = arith.addf %add3A_291, %unpack3A_316 : vector<16xf32>
        %add3A_319 = arith.addf %add3A_292, %unpack3A_317 : vector<16xf32>
        %gather3A_320 = tpu.vector_load_idx %arg8[%add3A_36, %and3A_308] : memref<80x64xi32, #tpu.memory_space<vmem>>[vector<16xi32>, vector<16xi32>], vector<16xi32>,
        %gather3A_321 = tpu.vector_load_idx %arg9[%add3A_36, %and3A_308] : memref<80x64xi32, #tpu.memory_space<vmem>>[vector<16xi32>, vector<16xi32>], vector<16xi32>,
        %add3A_322 = arith.constant 1 : i32
        %add3A_323 = vector.broadcast %add3A_322 : i32 to vector<16xi32>
        %add3A_324 = arith.addi %and3A_308, %add3A_323 : vector<16xi32>
        %and3A_325 = arith.constant 63 : i32
        %and3A_326 = vector.broadcast %and3A_325 : i32 to vector<16xi32>
        %and3A_327 = arith.andi %add3A_324, %and3A_326 : vector<16xi32>
        %gather3A_328 = tpu.vector_load_idx %arg8[%add3A_36, %and3A_327] : memref<80x64xi32, #tpu.memory_space<vmem>>[vector<16xi32>, vector<16xi32>], vector<16xi32>,
        %gather3A_329 = tpu.vector_load_idx %arg9[%add3A_36, %and3A_327] : memref<80x64xi32, #tpu.memory_space<vmem>>[vector<16xi32>, vector<16xi32>], vector<16xi32>,
        %add3A_330 = arith.constant 2 : i32
        %add3A_331 = vector.broadcast %add3A_330 : i32 to vector<16xi32>
        %add3A_332 = arith.addi %and3A_308, %add3A_331 : vector<16xi32>
        %and3A_333 = arith.constant 63 : i32
        %and3A_334 = vector.broadcast %and3A_333 : i32 to vector<16xi32>
        %and3A_335 = arith.andi %add3A_332, %and3A_334 : vector<16xi32>
        %bitcast3A_336 = vector.bitcast %gather3A_320 : vector<16xi32> to vector<32xbf16>
        %bitcast3A_337 = vector.bitcast %gather3A_321 : vector<16xi32> to vector<32xbf16>
        %mul3A_338 = arith.mulf %bitcast3A_336, %bitcast3A_337 : vector<32xbf16>
        %bitcast3A_339 = vector.bitcast %gather3A_328 : vector<16xi32> to vector<32xbf16>
        %bitcast3A_340 = vector.bitcast %gather3A_329 : vector<16xi32> to vector<32xbf16>
        %mul3A_341 = arith.mulf %bitcast3A_339, %bitcast3A_340 : vector<32xbf16>
        %add3A_342 = arith.addf %mul3A_338, %mul3A_341 : vector<32xbf16>
        %unpack3A_343 = tpu.unpack_subelements %add3A_342, 0 {pack_format = #tpu.pack_format<interleaved>} : vector<32xbf16> -> vector<16xf32>
        %unpack3A_344 = tpu.unpack_subelements %add3A_342, 1 {pack_format = #tpu.pack_format<interleaved>} : vector<32xbf16> -> vector<16xf32>
        %add3A_345 = arith.addf %add3A_318, %unpack3A_343 : vector<16xf32>
        %add3A_346 = arith.addf %add3A_319, %unpack3A_344 : vector<16xf32>
        %gather3A_347 = tpu.vector_load_idx %arg8[%add3A_36, %and3A_335] : memref<80x64xi32, #tpu.memory_space<vmem>>[vector<16xi32>, vector<16xi32>], vector<16xi32>,
        %gather3A_348 = tpu.vector_load_idx %arg9[%add3A_36, %and3A_335] : memref<80x64xi32, #tpu.memory_space<vmem>>[vector<16xi32>, vector<16xi32>], vector<16xi32>,
        %add3A_349 = arith.constant 1 : i32
        %add3A_350 = vector.broadcast %add3A_349 : i32 to vector<16xi32>
        %add3A_351 = arith.addi %and3A_335, %add3A_350 : vector<16xi32>
        %and3A_352 = arith.constant 63 : i32
        %and3A_353 = vector.broadcast %and3A_352 : i32 to vector<16xi32>
        %and3A_354 = arith.andi %add3A_351, %and3A_353 : vector<16xi32>
        %gather3A_355 = tpu.vector_load_idx %arg8[%add3A_36, %and3A_354] : memref<80x64xi32, #tpu.memory_space<vmem>>[vector<16xi32>, vector<16xi32>], vector<16xi32>,
        %gather3A_356 = tpu.vector_load_idx %arg9[%add3A_36, %and3A_354] : memref<80x64xi32, #tpu.memory_space<vmem>>[vector<16xi32>, vector<16xi32>], vector<16xi32>,
        %add3A_357 = arith.constant 2 : i32
        %add3A_358 = vector.broadcast %add3A_357 : i32 to vector<16xi32>
        %add3A_359 = arith.addi %and3A_335, %add3A_358 : vector<16xi32>
        %and3A_360 = arith.constant 63 : i32
        %and3A_361 = vector.broadcast %and3A_360 : i32 to vector<16xi32>
        %and3A_362 = arith.andi %add3A_359, %and3A_361 : vector<16xi32>
        %bitcast3A_363 = vector.bitcast %gather3A_347 : vector<16xi32> to vector<32xbf16>
        %bitcast3A_364 = vector.bitcast %gather3A_348 : vector<16xi32> to vector<32xbf16>
        %mul3A_365 = arith.mulf %bitcast3A_363, %bitcast3A_364 : vector<32xbf16>
        %bitcast3A_366 = vector.bitcast %gather3A_355 : vector<16xi32> to vector<32xbf16>
        %bitcast3A_367 = vector.bitcast %gather3A_356 : vector<16xi32> to vector<32xbf16>
        %mul3A_368 = arith.mulf %bitcast3A_366, %bitcast3A_367 : vector<32xbf16>
        %add3A_369 = arith.addf %mul3A_365, %mul3A_368 : vector<32xbf16>
        %unpack3A_370 = tpu.unpack_subelements %add3A_369, 0 {pack_format = #tpu.pack_format<interleaved>} : vector<32xbf16> -> vector<16xf32>
        %unpack3A_371 = tpu.unpack_subelements %add3A_369, 1 {pack_format = #tpu.pack_format<interleaved>} : vector<32xbf16> -> vector<16xf32>
        %add3A_372 = arith.addf %add3A_345, %unpack3A_370 : vector<16xf32>
        %add3A_373 = arith.addf %add3A_346, %unpack3A_371 : vector<16xf32>
        %gather3A_374 = tpu.vector_load_idx %arg8[%add3A_36, %and3A_362] : memref<80x64xi32, #tpu.memory_space<vmem>>[vector<16xi32>, vector<16xi32>], vector<16xi32>,
        %gather3A_375 = tpu.vector_load_idx %arg9[%add3A_36, %and3A_362] : memref<80x64xi32, #tpu.memory_space<vmem>>[vector<16xi32>, vector<16xi32>], vector<16xi32>,
        %add3A_376 = arith.constant 1 : i32
        %add3A_377 = vector.broadcast %add3A_376 : i32 to vector<16xi32>
        %add3A_378 = arith.addi %and3A_362, %add3A_377 : vector<16xi32>
        %and3A_379 = arith.constant 63 : i32
        %and3A_380 = vector.broadcast %and3A_379 : i32 to vector<16xi32>
        %and3A_381 = arith.andi %add3A_378, %and3A_380 : vector<16xi32>
        %gather3A_382 = tpu.vector_load_idx %arg8[%add3A_36, %and3A_381] : memref<80x64xi32, #tpu.memory_space<vmem>>[vector<16xi32>, vector<16xi32>], vector<16xi32>,
        %gather3A_383 = tpu.vector_load_idx %arg9[%add3A_36, %and3A_381] : memref<80x64xi32, #tpu.memory_space<vmem>>[vector<16xi32>, vector<16xi32>], vector<16xi32>,
        %add3A_384 = arith.constant 2 : i32
        %add3A_385 = vector.broadcast %add3A_384 : i32 to vector<16xi32>
        %add3A_386 = arith.addi %and3A_362, %add3A_385 : vector<16xi32>
        %and3A_387 = arith.constant 63 : i32
        %and3A_388 = vector.broadcast %and3A_387 : i32 to vector<16xi32>
        %and3A_389 = arith.andi %add3A_386, %and3A_388 : vector<16xi32>
        %bitcast3A_390 = vector.bitcast %gather3A_374 : vector<16xi32> to vector<32xbf16>
        %bitcast3A_391 = vector.bitcast %gather3A_375 : vector<16xi32> to vector<32xbf16>
        %mul3A_392 = arith.mulf %bitcast3A_390, %bitcast3A_391 : vector<32xbf16>
        %bitcast3A_393 = vector.bitcast %gather3A_382 : vector<16xi32> to vector<32xbf16>
        %bitcast3A_394 = vector.bitcast %gather3A_383 : vector<16xi32> to vector<32xbf16>
        %mul3A_395 = arith.mulf %bitcast3A_393, %bitcast3A_394 : vector<32xbf16>
        %add3A_396 = arith.addf %mul3A_392, %mul3A_395 : vector<32xbf16>
        %unpack3A_397 = tpu.unpack_subelements %add3A_396, 0 {pack_format = #tpu.pack_format<interleaved>} : vector<32xbf16> -> vector<16xf32>
        %unpack3A_398 = tpu.unpack_subelements %add3A_396, 1 {pack_format = #tpu.pack_format<interleaved>} : vector<32xbf16> -> vector<16xf32>
        %add3A_399 = arith.addf %add3A_372, %unpack3A_397 : vector<16xf32>
        %add3A_400 = arith.addf %add3A_373, %unpack3A_398 : vector<16xf32>
        %gather3A_401 = tpu.vector_load_idx %arg8[%add3A_36, %and3A_389] : memref<80x64xi32, #tpu.memory_space<vmem>>[vector<16xi32>, vector<16xi32>], vector<16xi32>,
        %gather3A_402 = tpu.vector_load_idx %arg9[%add3A_36, %and3A_389] : memref<80x64xi32, #tpu.memory_space<vmem>>[vector<16xi32>, vector<16xi32>], vector<16xi32>,
        %add3A_403 = arith.constant 1 : i32
        %add3A_404 = vector.broadcast %add3A_403 : i32 to vector<16xi32>
        %add3A_405 = arith.addi %and3A_389, %add3A_404 : vector<16xi32>
        %and3A_406 = arith.constant 63 : i32
        %and3A_407 = vector.broadcast %and3A_406 : i32 to vector<16xi32>
        %and3A_408 = arith.andi %add3A_405, %and3A_407 : vector<16xi32>
        %gather3A_409 = tpu.vector_load_idx %arg8[%add3A_36, %and3A_408] : memref<80x64xi32, #tpu.memory_space<vmem>>[vector<16xi32>, vector<16xi32>], vector<16xi32>,
        %gather3A_410 = tpu.vector_load_idx %arg9[%add3A_36, %and3A_408] : memref<80x64xi32, #tpu.memory_space<vmem>>[vector<16xi32>, vector<16xi32>], vector<16xi32>,
        %add3A_411 = arith.constant 2 : i32
        %add3A_412 = vector.broadcast %add3A_411 : i32 to vector<16xi32>
        %add3A_413 = arith.addi %and3A_389, %add3A_412 : vector<16xi32>
        %and3A_414 = arith.constant 63 : i32
        %and3A_415 = vector.broadcast %and3A_414 : i32 to vector<16xi32>
        %and3A_416 = arith.andi %add3A_413, %and3A_415 : vector<16xi32>
        %bitcast3A_417 = vector.bitcast %gather3A_401 : vector<16xi32> to vector<32xbf16>
        %bitcast3A_418 = vector.bitcast %gather3A_402 : vector<16xi32> to vector<32xbf16>
        %mul3A_419 = arith.mulf %bitcast3A_417, %bitcast3A_418 : vector<32xbf16>
        %bitcast3A_420 = vector.bitcast %gather3A_409 : vector<16xi32> to vector<32xbf16>
        %bitcast3A_421 = vector.bitcast %gather3A_410 : vector<16xi32> to vector<32xbf16>
        %mul3A_422 = arith.mulf %bitcast3A_420, %bitcast3A_421 : vector<32xbf16>
        %add3A_423 = arith.addf %mul3A_419, %mul3A_422 : vector<32xbf16>
        %unpack3A_424 = tpu.unpack_subelements %add3A_423, 0 {pack_format = #tpu.pack_format<interleaved>} : vector<32xbf16> -> vector<16xf32>
        %unpack3A_425 = tpu.unpack_subelements %add3A_423, 1 {pack_format = #tpu.pack_format<interleaved>} : vector<32xbf16> -> vector<16xf32>
        %add3A_426 = arith.addf %add3A_399, %unpack3A_424 : vector<16xf32>
        %add3A_427 = arith.addf %add3A_400, %unpack3A_425 : vector<16xf32>
        %gather3A_428 = tpu.vector_load_idx %arg8[%add3A_36, %and3A_416] : memref<80x64xi32, #tpu.memory_space<vmem>>[vector<16xi32>, vector<16xi32>], vector<16xi32>,
        %gather3A_429 = tpu.vector_load_idx %arg9[%add3A_36, %and3A_416] : memref<80x64xi32, #tpu.memory_space<vmem>>[vector<16xi32>, vector<16xi32>], vector<16xi32>,
        %add3A_430 = arith.constant 1 : i32
        %add3A_431 = vector.broadcast %add3A_430 : i32 to vector<16xi32>
        %add3A_432 = arith.addi %and3A_416, %add3A_431 : vector<16xi32>
        %and3A_433 = arith.constant 63 : i32
        %and3A_434 = vector.broadcast %and3A_433 : i32 to vector<16xi32>
        %and3A_435 = arith.andi %add3A_432, %and3A_434 : vector<16xi32>
        %gather3A_436 = tpu.vector_load_idx %arg8[%add3A_36, %and3A_435] : memref<80x64xi32, #tpu.memory_space<vmem>>[vector<16xi32>, vector<16xi32>], vector<16xi32>,
        %gather3A_437 = tpu.vector_load_idx %arg9[%add3A_36, %and3A_435] : memref<80x64xi32, #tpu.memory_space<vmem>>[vector<16xi32>, vector<16xi32>], vector<16xi32>,
        %add3A_438 = arith.constant 2 : i32
        %add3A_439 = vector.broadcast %add3A_438 : i32 to vector<16xi32>
        %add3A_440 = arith.addi %and3A_416, %add3A_439 : vector<16xi32>
        %and3A_441 = arith.constant 63 : i32
        %and3A_442 = vector.broadcast %and3A_441 : i32 to vector<16xi32>
        %and3A_443 = arith.andi %add3A_440, %and3A_442 : vector<16xi32>
        %bitcast3A_444 = vector.bitcast %gather3A_428 : vector<16xi32> to vector<32xbf16>
        %bitcast3A_445 = vector.bitcast %gather3A_429 : vector<16xi32> to vector<32xbf16>
        %mul3A_446 = arith.mulf %bitcast3A_444, %bitcast3A_445 : vector<32xbf16>
        %bitcast3A_447 = vector.bitcast %gather3A_436 : vector<16xi32> to vector<32xbf16>
        %bitcast3A_448 = vector.bitcast %gather3A_437 : vector<16xi32> to vector<32xbf16>
        %mul3A_449 = arith.mulf %bitcast3A_447, %bitcast3A_448 : vector<32xbf16>
        %add3A_450 = arith.addf %mul3A_446, %mul3A_449 : vector<32xbf16>
        %unpack3A_451 = tpu.unpack_subelements %add3A_450, 0 {pack_format = #tpu.pack_format<interleaved>} : vector<32xbf16> -> vector<16xf32>
        %unpack3A_452 = tpu.unpack_subelements %add3A_450, 1 {pack_format = #tpu.pack_format<interleaved>} : vector<32xbf16> -> vector<16xf32>
        %add3A_453 = arith.addf %add3A_426, %unpack3A_451 : vector<16xf32>
        %add3A_454 = arith.addf %add3A_427, %unpack3A_452 : vector<16xf32>
        %gather3A_455 = tpu.vector_load_idx %arg8[%add3A_36, %and3A_443] : memref<80x64xi32, #tpu.memory_space<vmem>>[vector<16xi32>, vector<16xi32>], vector<16xi32>,
        %gather3A_456 = tpu.vector_load_idx %arg9[%add3A_36, %and3A_443] : memref<80x64xi32, #tpu.memory_space<vmem>>[vector<16xi32>, vector<16xi32>], vector<16xi32>,
        %add3A_457 = arith.constant 1 : i32
        %add3A_458 = vector.broadcast %add3A_457 : i32 to vector<16xi32>
        %add3A_459 = arith.addi %and3A_443, %add3A_458 : vector<16xi32>
        %and3A_460 = arith.constant 63 : i32
        %and3A_461 = vector.broadcast %and3A_460 : i32 to vector<16xi32>
        %and3A_462 = arith.andi %add3A_459, %and3A_461 : vector<16xi32>
        %gather3A_463 = tpu.vector_load_idx %arg8[%add3A_36, %and3A_462] : memref<80x64xi32, #tpu.memory_space<vmem>>[vector<16xi32>, vector<16xi32>], vector<16xi32>,
        %gather3A_464 = tpu.vector_load_idx %arg9[%add3A_36, %and3A_462] : memref<80x64xi32, #tpu.memory_space<vmem>>[vector<16xi32>, vector<16xi32>], vector<16xi32>,
        %add3A_465 = arith.constant 2 : i32
        %add3A_466 = vector.broadcast %add3A_465 : i32 to vector<16xi32>
        %add3A_467 = arith.addi %and3A_443, %add3A_466 : vector<16xi32>
        %and3A_468 = arith.constant 63 : i32
        %and3A_469 = vector.broadcast %and3A_468 : i32 to vector<16xi32>
        %and3A_470 = arith.andi %add3A_467, %and3A_469 : vector<16xi32>
        %bitcast3A_471 = vector.bitcast %gather3A_455 : vector<16xi32> to vector<32xbf16>
        %bitcast3A_472 = vector.bitcast %gather3A_456 : vector<16xi32> to vector<32xbf16>
        %mul3A_473 = arith.mulf %bitcast3A_471, %bitcast3A_472 : vector<32xbf16>
        %bitcast3A_474 = vector.bitcast %gather3A_463 : vector<16xi32> to vector<32xbf16>
        %bitcast3A_475 = vector.bitcast %gather3A_464 : vector<16xi32> to vector<32xbf16>
        %mul3A_476 = arith.mulf %bitcast3A_474, %bitcast3A_475 : vector<32xbf16>
        %add3A_477 = arith.addf %mul3A_473, %mul3A_476 : vector<32xbf16>
        %unpack3A_478 = tpu.unpack_subelements %add3A_477, 0 {pack_format = #tpu.pack_format<interleaved>} : vector<32xbf16> -> vector<16xf32>
        %unpack3A_479 = tpu.unpack_subelements %add3A_477, 1 {pack_format = #tpu.pack_format<interleaved>} : vector<32xbf16> -> vector<16xf32>
        %add3A_480 = arith.addf %add3A_453, %unpack3A_478 : vector<16xf32>
        %add3A_481 = arith.addf %add3A_454, %unpack3A_479 : vector<16xf32>
        scf.yield %and3A_470, %add3A_480, %add3A_481 : vector<16xi32>, vector<16xf32>, vector<16xf32>
      }
      %scan3A_43 = arith.constant 2 : i32
      %add3A_44 = arith.addf %scan3A_42#1, %scan3A_42#2 : vector<16xf32>
      %mul3A_45 = arith.constant 16 : i32
      %mul3A_46 = arith.muli %scan3A_32, %mul3A_45 : i32
      %add3A_47 = arith.constant 9920 : i32
      %add3A_48 = arith.addi %add3A_47, %mul3A_46 : i32
      %swap3A = arith.index_cast %add3A_48 : i32 to index
      %swap3A_49 = tpu.vector_load %arg12[%swap3A] {strides = array<i32>} : memref<10000xf32, #tpu.memory_space<vmem>>, vector<16xf32>,
      tpu.vector_store %arg12[%swap3A], %add3A_44 {strides = array<i32>} : memref<10000xf32, #tpu.memory_space<vmem>>, vector<16xf32>,
    }
    %scan3A_31 = arith.constant 5 : i32
    "tpu.region"() ({
      %run_scoped3A = tpu.sem_alloc : memref<!tpu.dma_semaphore, #tpu.memory_space<semaphore_mem>>
      %dma_start3A_32 = tpu.memref_slice %arg5[%mul3A_2] : memref<320000xf32, #tpu.memory_space<hbm>> -> memref<10000xf32, #tpu.memory_space<hbm>>
      %dma_start3A_33 = tpu.memref_slice %arg5[%mul3A_2] : memref<320000xf32, #tpu.memory_space<hbm>> -> memref<10000xf32, #tpu.memory_space<hbm>>
      tpu.enqueue_dma source(%arg12 : memref<10000xf32, #tpu.memory_space<vmem>>) target(%dma_start3A_33 : memref<10000xf32, #tpu.memory_space<hbm>>) target_semaphore(%run_scoped3A : memref<!tpu.dma_semaphore, #tpu.memory_space<semaphore_mem>>)
      %dma_wait3A_34 = tpu.memref_slice %arg5[%mul3A_2] : memref<320000xf32, #tpu.memory_space<hbm>> -> memref<10000xf32, #tpu.memory_space<hbm>>
      %dma_wait3A_35 = tpu.memref_slice %arg5[%mul3A_2] : memref<320000xf32, #tpu.memory_space<hbm>> -> memref<10000xf32, #tpu.memory_space<hbm>>
      tpu.wait_dma2 semaphore(%run_scoped3A : memref<!tpu.dma_semaphore, #tpu.memory_space<semaphore_mem>>) src(%arg12 : memref<10000xf32, #tpu.memory_space<vmem>>) dst(%dma_wait3A_35 : memref<10000xf32, #tpu.memory_space<hbm>>)
      tpu.yield
    }) : () -> ()
    return
  }
}

</mosaic_0001>

<sc_bundles>
// kernel: kernel.3.cloned.1.call-start
scs
__scs_entry_jumppad:
0x0: {  	(pc) =	sbr.rel $0x88, $3  }
0x1: {  	(tag) =	ssettag $0x0;
	lr =	simm.s32 $0x1  }
0x2: {  	[smem:$0x3F9F] =	sst lr;
	_ =	strace $0xD0000000  }
0x3: {  	_ = 	snop  }
0x4: {  	_ = 	snop  }
0x5: {  	_ = 	snop  }
0x6: {  	_ = 	snop  }
0x7: {  	_ = 	snop  }
__scs_overlays_trampoline_lowered:
0x8: {  	[smem:$0x3FAE] =	sst s0  }
0x9: {  	[smem:$0x3FAF] =	sst s1  }
0xa: {  	[smem:$0x3FB0] =	sst s2  }
0xb: {  	[smem:$0x3FB1] =	sst s3  }
0xc: {  	[smem:$0x3FB2] =	sst s4  }
0xd: {  	[smem:$0x3FB3] =	sst s5  }
0xe: {  	[smem:$0x3FB4] =	sst s6  }
0xf: {  	[smem:$0x3FB5] =	sst s7  }
0x10: {  	[smem:$0x3FB6] =	sst s8  }
0x11: {  	[smem:$0x3FB7] =	sst s9;
	s0 =	simm.s32 @!p0 $0x0  }
0x12: {  	s1 =	sld [smem:$0x3F9D];
	s0 =	simm.s32 @p0 $0x1  }
0x13: {  	[smem:$0x3FB8] =	sst s0;
	s0 =	simm.s32 @!p1 $0x0  }
0x14: {  	s2 =	sld [smem:$0x3F9C];
	s0 =	simm.s32 @p1 $0x1  }
0x15: {  	[smem:$0x3FB9] =	sst s0;
	s0 =	simm.s32 @!p2 $0x0  }
0x16: {  	s3 =	sld [smem:$0x3FDB];
	s0 =	simm.s32 @p2 $0x1  }
0x17: {  	s4 =	simm.s32 $0x1BF5;
	[smem:$0x3FBB] =	sst s0  }
0x18: {  	s0 =	sld [smem:$0x3F9E];
	_ =	swait.ge [sflag:s4], $0x0  }
0x19: {  	s7 =	sld [smem:$0x3F9F]  }
0x1a: {  	s8 =	sadd.s32 $0xFFFFE003, lr  }
0x1b: {  	s9 =	sadd.s32 $0xFFFFFEF7, lr;
	s5 =	simm.s32 $0xFFFFFFFF;
	p2 =	slt.u32 s8, $0xFFFFF086  }
0x1c: {  	p1 =	slt.u32 s9, $0xF7A;
	s5 =	simm.s32 @!p2 $0x0  }
0x1d: {  	s5 =	simm.s32 @p1 $0x1;
	p0 =	seq.s32 s7, s2  }
0x1e: {  	s7 =	smul.u32 @!p0 $0xF7A, s2;
	p2 =	seq.s32 @!p0 s5, $0x0  }
0x1f: {  	s9 =	smul.u32 $0xF7A, s1;
	s8 =	simm.s32 @!p0 $0x1BF5;
	p2 =	por !p2, p0  }
0x20: {  	[sflag:s8] =	ssyncset.s32 @!p0 $0xFFFFF086;
	s6 =	sadd.s32 @!p0 s3, s7;
	s7 =	simm.s32 @!p0 $0x108  }
0x21: {  	s3 =	sadd.s32 s3, s9;
	s6 =	sadd.s32 @!p0 $0x88, s6;
	s7 =	simm.s32 @p2 $0x1082  }
0x22: {  	[simem:s7], [sflag:s8] =	dma.local @!p0 [hbm:s6], $0xF7A  }
0x23: {  	s9 =	sor.u32 $0xD0000000, s2;
	s6 =	simm.s32 $0x108;
	_ =	swait.ge @!p0 [sflag:s8], $0x0  }
0x24: {  	s3 =	sadd.s32 $0x88, s3;
	s6 =	simm.s32 @!p1 $0x1082;
	[sflag:s4] =	ssyncset.s32 $0xFFFFF086  }
0x25: {  	[simem:s6], [sflag:s4] =	dma.local [hbm:s3], $0xF7A  }
0x26: {  	[smem:$0x3F9F] =	sst s1;
	(tag) =	ssettag s2;
	_ =	strace s9  }
0x27: {  	s1 =	sld [smem:$0x3FAF]  }
0x28: {  	s2 =	sld [smem:$0x3FB0]  }
0x29: {  	s4 =	sld [smem:$0x3FB2]  }
0x2a: {  	p0 =	seq.s32 s5, $0x0;
	s5 =	sld [smem:$0x3FB3]  }
0x2b: {  	s6 =	sld [smem:$0x3FB4]  }
0x2c: {  	s7 =	sld [smem:$0x3FB5]  }
0x2d: {  	s3 =	simm.s32 $0x108;
	s8 =	sld [smem:$0x3FB6]  }
0x2e: {  	s3 =	simm.s32 @!p0 $0x1082;
	s9 =	sld [smem:$0x3FB7]  }
0x2f: {  	lr =	sadd.s32 s0, s3;
	s0 =	sld [smem:$0x3FAE]  }
0x30: {  	s3 =	sld [smem:$0x3FB1]  }
0x31: {  	[smem:$0x3FBA] =	sst s10  }
0x32: {  	s10 =	sld [smem:$0x3FB8];
	_ =	sdelay $0x3  }
0x33: {  	p0 =	seq.s32 s10, $0x1;
	s10 =	sld [smem:$0x3FBA];
	_ =	sdelay $0x3  }
0x34: {  	[smem:$0x3FBA] =	sst s10  }
0x35: {  	s10 =	sld [smem:$0x3FB9];
	_ =	sdelay $0x3  }
0x36: {  	p1 =	seq.s32 s10, $0x1;
	s10 =	sld [smem:$0x3FBA];
	_ =	sdelay $0x3  }
0x37: {  	[smem:$0x3FBA] =	sst s10  }
0x38: {  	s10 =	sld [smem:$0x3FBB]  }
0x39: {  	_ = 	snop;
	(pc) =	sbr.ind lr, $3  }
0x3a: {  	_ = 	snop  }
0x3b: {  	_ = 	snop  }
0x3c: {  	p2 =	seq.s32 s10, $0x1;
	s10 =	sld [smem:$0x3FBA]  }
0x3d: {  	_ =	shalt  }
0x3e: {  	_ =	shalt  }
0x3f: {  	_ =	shalt  }
0x40: {  	_ =	shalt  }
0x41: {  	_ =	shalt  }
0x42: {  	_ =	shalt  }
0x43: {  	_ =	shalt  }
0x44: {  	_ =	shalt  }
0x45: {  	_ =	shalt  }
0x46: {  	_ =	shalt  }
0x47: {  	_ =	shalt  }
0x48: {  	_ =	shalt  }
0x49: {  	_ =	shalt  }
0x4a: {  	_ =	shalt  }
0x4b: {  	_ =	shalt  }
0x4c: {  	_ =	shalt  }
0x4d: {  	_ =	shalt  }
0x4e: {  	_ =	shalt  }
0x4f: {  	_ =	shalt  }
0x50: {  	_ =	shalt  }
0x51: {  	_ =	shalt  }
0x52: {  	_ =	shalt  }
0x53: {  	_ =	shalt  }
0x54: {  	_ =	shalt  }
0x55: {  	_ =	shalt  }
0x56: {  	_ =	shalt  }
0x57: {  	_ =	shalt  }
0x58: {  	_ =	shalt  }
0x59: {  	_ =	shalt  }
0x5a: {  	_ =	shalt  }
0x5b: {  	_ =	shalt  }
0x5c: {  	_ =	shalt  }
0x5d: {  	_ =	shalt  }
0x5e: {  	_ =	shalt  }
0x5f: {  	_ =	shalt  }
0x60: {  	_ =	shalt  }
0x61: {  	_ =	shalt  }
0x62: {  	_ =	shalt  }
0x63: {  	_ =	shalt  }
0x64: {  	_ =	shalt  }
0x65: {  	_ =	shalt  }
0x66: {  	_ =	shalt  }
0x67: {  	_ =	shalt  }
0x68: {  	_ =	shalt  }
0x69: {  	_ =	shalt  }
0x6a: {  	_ =	shalt  }
0x6b: {  	_ =	shalt  }
0x6c: {  	_ =	shalt  }
0x6d: {  	_ =	shalt  }
0x6e: {  	_ =	shalt  }
0x6f: {  	_ =	shalt  }
0x70: {  	_ =	shalt  }
0x71: {  	_ =	shalt  }
0x72: {  	_ =	shalt  }
0x73: {  	_ =	shalt  }
0x74: {  	_ =	shalt  }
0x75: {  	_ =	shalt  }
0x76: {  	_ =	shalt  }
0x77: {  	_ =	shalt  }
0x78: {  	_ =	shalt  }
0x79: {  	_ =	shalt  }
0x7a: {  	_ =	shalt  }
0x7b: {  	_ =	shalt  }
0x7c: {  	_ =	shalt  }
0x7d: {  	_ =	shalt  }
0x7e: {  	_ =	shalt  }
0x7f: {  	_ =	shalt  }
0x80: {  	_ =	shalt  }
0x81: {  	_ =	shalt  }
0x82: {  	_ =	shalt  }
0x83: {  	_ =	shalt  }
0x84: {  	_ =	shalt  }
0x85: {  	_ =	shalt  }
0x86: {  	_ =	shalt  }
0x87: {  	_ =	shalt  }
.Lfunc_end0:
.L_simem_size_0:
called_computation_lowered:
.L_overlay_start_0:
0x88: {  	s2 =	sld [smem:$0x3FD9]  }
0x89: {  	s3 =	sld [smem:$0x3FFE];
	_ =	sdelay $0x1  }
0x8a: {  	s1 =	srdreg.scid  }
0x8b: {  	s0 =	sand.u32 $0x1, s1  }
0x8c: {  	s17 =	sshll.u32 s0, $0xA;
	s2 =	sadd.s32 s3, s2  }
0x8d: {  	s2 =	sadd.s32 s2, s17  }
0x8e: {  	[smem:$0x3FC6] =	sst s2  }
0x8f: {  	_ = 	snop  }
0x90: {  	s2 =	sld [smem:$0x3FD0];
	(tm) =	ssettm $0x1  }
0x91: {  	s18 =	sld [smem:$0x3FFB];
	_ =	sdelay $0x3  }
0x92: {  	_ =	strace s18  }
0x93: {  	s3 =	sld [smem:$0x3FFC];
	_ =	sdelay $0x3  }
0x94: {  	_ =	strace s3  }
0x95: {  	s3 =	sld [smem:$0x3FFD];
	_ =	sdelay $0x3  }
0x96: {  	_ =	strace s3  }
0x97: {  	_ =	strace $0x8FFFFFFF  }
0x98: {  	s19 =	sld [smem:$0x3FDB];
	_ =	sdelay $0x1  }
0x99: {  	s4 =	simm.s32 $_scs_section_size  }
0x9a: {  	s5 =	simm.s32 $_size__tile_overlayer_lowered;
	s6 =	simm.s32 $_tile_overlayer_lowered  }
0x9b: {  	s22 =	simm.s32 $0x1BFF;
	s21 =	sshll.u32 s6, $0x1;
	s3 =	sadd.s32 s4, s19  }
0x9c: {  	s7 =	simm.s32 $0x0;
	s20 =	sshll.u32 s5, $0x1;
	s5 =	sadd.s32 s21, s3  }
0x9d: {  	[timem:s7], [sflag:s22] =	dma.local [hbm:s5], s20  }
0x9e: {  	_ =	swait.ge [sflag:s22], s20  }
0x9f: {  	s4 =	ssub.s32 $0x0, s20;
	[sflag:s22] =	ssyncset.done $0x0  }
0xa0: {  	[sflag:s22] =	ssyncadd.s32 s4;
	_ =	sdelay $0x1  }
0xa1: {  	s23 =	simm.s32 $0x1B8B  }
0xa2: {  	_ =	swait.ge [sflag:s23], $0x1  }
0xa3: {  	[sflag:s23] =	ssyncset.done $0x0  }
0xa4: {  	s25 =	simm.s32 $0x1B8E;
	s24 =	sld [smem:$0x3FFE];
	[sflag:s23] =	ssyncadd.s32 $0xFFFFFFFF  }
0xa5: {  	s26 =	simm.s32 $execute0_lowered;
	[smem:$0x3FD2] =	sst s25  }
0xa6: {  	s5 =	sshll.u32 s26, $0x1;
	_ =	strace $0x80000046;
	[dreg:$0x1] =	wrdreg $0xFFFFFFFF  }
0xa7: {  	s28 =	simm.s32 $_size_execute0_lowered;
	s3 =	sadd.s32 s3, s5;
	[dreg:$0x0] =	wrdreg $0x0  }
0xa8: {  	s5 =	sshll.u32 s28, $0x1;
	[dreg:$0x2] =	wrdreg s3  }
0xa9: {  	[dreg:$0x3] =	wrdreg s5  }
0xaa: {  	[dreg:$0x4] =	wrdreg $0xC0  }
0xab: {  	_ =	task [dreg:s7], $0x5FFFF  }
0xac: {  	[dreg:$0x1] =	wrdreg $0xFFFFFFFF  }
0xad: {  	[dreg:$0x0] =	wrdreg $0x60  }
0xae: {  	[dreg:$0x2] =	wrdreg s24  }
0xaf: {  	[dreg:$0x3] =	wrdreg s2  }
0xb0: {  	[dreg:$0x4] =	wrdreg $0x9  }
0xb1: {  	_ =	task.clear_ibuf [dreg:s7], $0x5FFFF;
	_ =	strace $0x90000046  }
0xb2: {  	s29 =	simm.s32 $0x9;
	_ =	strace $0x80000048  }
0xb3: {  	_ =	swait.ge [sflag:s29], $0x1  }
0xb4: {  	[sflag:s29] =	ssyncadd.s32 $0xFFFFFFFF  }
0xb5: {  	_ =	strace $0x90000048  }
0xb6: {  	_ =	sfence  }
0xb7: {  	s30 =	sld [smem:$0x0];
	_ =	sdelay $0x2  }
0xb8: {  	s31 =	sshll.u32 s1, $0xD;
	s1 =	sshrl.u32 s1, $0x2  }
0xb9: {  	s3 =	sand.u32 $0x4000, s31;
	s1 =	sadd.s32 s1, s30  }
0xba: {  	s0 =	sor.u32 s3, s0;
	s1 =	sshll.u32 s1, $0x11  }
0xbb: {  	s0 =	sor.u32 s1, s0  }
0xbc: {  	s0 =	sadd.s32 $0x8F2B, s0  }
0xbd: {  	[sflag:s0] =	ssyncadd.remote.s32 $0x1  }
0xbe: {  	_ =	sfence.sel $0xFFFF  }
0xbf: {  	[dreg:$0x0] =	wrdreg $0xFFFFFFFF;
	(pc) =	sbr.abs _section_cstart, $3  }
0xc0: {  	[dreg:$0x1] =	wrdreg $0xFFFFFFFF  }
0xc1: {  	_ =	task.clear_ibuf [dreg:s7], $0x2FFFF;
	_ =	strace $0x9FFFFFFF  }
0xc2: {  	(tm) =	ssettm $0x7FFFFFFF  }
0xc3: {  	_ =	shalt  }
tec
execute0_lowered:
.L_overlay_start_1:
0x0: {  	(tag) =	ssettag $0x1  }
0x1: {  	s2 =	rddreg [dreg:$0x0];
	s1 =	srdreg.scid  }
0x2: {  	s0 =	stileid.u32;
	s6 =	rddreg [dreg:$0x1]  }
0x3: {  	s10 =	simm.s32 $0x50;
	s11 =	simm.s32 $0x4E20;
	s12 =	simm.s32 $0x6220  }
0x4: {  	s13 =	simm.s32 $0x7620;
	s14 =	simm.s32 $0x8A20;
	s15 =	simm.s32 $0x1  }
0x5: {  	s16 =	simm.s32 $0x2;
	s4 =	sand.u32 $0x1, s1;
	s3 =	sshll.u32 s0, $0x1  }
0x6: {  	s17 =	simm.s32 $0x9E20;
	s1 =	rddreg [dreg:$0x2];
	s5 =	sor.u32 s4, s3  }
0x7: {  	s3 =	simm.s32 $0x0;
	s4 =	ssub.s32 $0x2, s4;
	s7 =	smul.u32 $0x4E2, s5  }
0x8: {  	s18 =	simm.s32 $0x0;
	[smem:$0x7FF] =	sst s3;
	s31 =	sshrl.u32 s4, $0x1  }
0x9: {  	_ =	strace $0x80000047;
	s9 =	ssub.s32 s4, s31;
	s8 =	sadd.s32 s7, s2  }
0xa: {  	s6 =	sadd.s32 s6, s7;
	s7 =	smax.u32 s9, $0x1;
	s9 =	simm.s32 $0x2710  }
0xb: {  	s4 =	sadd.s32 $0x1DE00, s8;
	s5 =	sadd.s32 $0x14000, s8;
	s8 =	simm.s32 $0x3  }
.LBB2_1:
0xc: {  	[tilespmem:s3], [sflag:$0x3] =	stream.linear.gather [hbm4b:s4+s3], $0x2710, $0x38;
	[tilespmem:$0xC530] =	vst v63  }
0xd: {  	_ =	swait.ge [sflag:s8], $0x2710  }
0xe: {  	[sflag:s8] =	ssyncset.done $0x0  }
0xf: {  	[sflag:s8] =	ssyncadd.s32 $0xFFFFD8F0  }
0x10: {  	[tilespmem:s9], [sflag:$0x3] =	stream.linear.gather [hbm4b:s5+s3], $0x2710, $0x38;
	[tilespmem:$0xC530] =	vst v63  }
0x11: {  	_ =	swait.ge [sflag:s8], $0x2710  }
0x12: {  	[sflag:s8] =	ssyncset.done $0x0  }
0x13: {  	[sflag:s8] =	ssyncadd.s32 $0xFFFFD8F0  }
0x14: {  	[tilespmem:s11], [sflag:$0x1] =	stream.indirect.gather [hbm4b:s2+s10], $0x40, s3, s10, $0xb8;
	[tilespmem:$0xC530] =	vst v63  }
0x15: {  	s19 =	simm.s32 $0x0  }
0x16: {  	[tilespmem:s12], [sflag:$0x1] =	stream.indirect.gather [hbm4b:s2+s10], $0x40, s9, s10, $0xb8;
	[tilespmem:$0xC530] =	vst v63  }
.LBB2_2:
0x17: {  	s21 =	smul.u32 $0xA0, s19;
	_ =	sdelay $0x1  }
0x18: {  	s20 =	sadd.s32 $0x50, s21  }
0x19: {  	[tilespmem:s13], [sflag:$0x2] =	stream.indirect.gather [hbm4b:s2+s10], $0x40, s20, s10, $0xb8;
	[tilespmem:$0xC530] =	vst v63  }
0x1a: {  	s22 =	sadd.s32 $0x2760, s21  }
0x1b: {  	[tilespmem:s14], [sflag:$0x2] =	stream.indirect.gather [hbm4b:s2+s10], $0x40, s22, s10, $0xb8;
	[tilespmem:$0xC530] =	vst v63  }
0x1c: {  	_ =	swait.ge [sflag:s15], $0x1400  }
0x1d: {  	s31 =	smul.u32 $0x280, s19;
	[sflag:s15] =	ssyncset.done $0x0  }
0x1e: {  	[sflag:s15] =	ssyncadd.s32 $0xFFFFEC00  }
0x1f: {  	s22 =	sshra.s32 s31, $0x2;
	_ =	swait.ge [sflag:s15], $0x1400  }
0x20: {  	s23 =	sadd.s32 $0x9E20, s22;
	[sflag:s15] =	ssyncset.done $0x0  }
0x21: {  	s22 =	simm.s32 $0x0;
	v0 =	vmov s23;
	[sflag:s15] =	ssyncadd.s32 $0xFFFFEC00  }
.LBB2_3:
0x22: {  	s23 =	sshll.u32 s22, $0x4;
	v1 =	vlaneseq.u32  }
0x23: {  	v2 =	vmov s23;
	v3 =	vmul.u32 $0x40, v1  }
0x24: {  	v2 =	vshll.u32 v2, $0x6  }
0x25: {  	p0 =	por $0x1, $0x1;
	v4 =	vimm.f32 $0.0e+00;
	v5 =	vimm.f32 $0.0e+00;
	v2 =	vor.u32 v3, v2  }
.LBB2_4:
0x26: {  	v3 =	vor.u32 v2, v1;
	v6 =	vadd.s32 $0x1, v1  }
0x27: {  	v6 =	vand.u32 $0x3F, v6  }
0x28: {  	v7 =	vadd.s32 $0x2, v1;
	v6 =	vor.u32 v2, v6  }
0x29: {  	v7 =	vand.u32 $0x3F, v7  }
0x2a: {  	v8 =	vadd.s32 $0x3, v1;
	v7 =	vor.u32 v2, v7  }
0x2b: {  	v8 =	vand.u32 $0x3F, v8;
	v9 =	vld.idx.msk [tilespmem:v3+s11+$0x0], $0xffff  }
0x2c: {  	v10 =	vadd.s32 $0x4, v1;
	v8 =	vor.u32 v2, v8;
	v3 =	vld.idx.msk [tilespmem:v3+s12+$0x0], $0xffff  }
0x2d: {  	v10 =	vand.u32 $0x3F, v10;
	v11 =	vld.idx.msk [tilespmem:v6+s11+$0x0], $0xffff  }
0x2e: {  	v12 =	vadd.s32 $0x5, v1;
	v10 =	vor.u32 v2, v10;
	v6 =	vld.idx.msk [tilespmem:v6+s12+$0x0], $0xffff  }
0x2f: {  	v12 =	vand.u32 $0x3F, v12;
	v13 =	vld.idx.msk [tilespmem:v7+s11+$0x0], $0xffff  }
0x30: {  	v14 =	vadd.s32 $0x6, v1;
	v12 =	vor.u32 v2, v12;
	v7 =	vld.idx.msk [tilespmem:v7+s12+$0x0], $0xffff  }
0x31: {  	v18 =	vadd.s32 $0x9, v1;
	v14 =	vand.u32 $0x3F, v14;
	v15 =	vld.idx.msk [tilespmem:v8+s11+$0x0], $0xffff  }
0x32: {  	v55 =	vadd.s32 $0x7, v1;
	v18 =	vand.u32 $0x3F, v18;
	v54 =	vor.u32 v2, v14;
	v8 =	vld.idx.msk [tilespmem:v8+s12+$0x0], $0xffff  }
0x33: {  	v14 =	vand.u32 $0x3F, v55;
	v57 =	vor.u32 v2, v18;
	v56 =	vld.idx.msk [tilespmem:v10+s11+$0x0], $0xffff  }
0x34: {  	v21 =	vadd.s32 $0xE, v1;
	v14 =	vor.u32 v2, v14;
	v10 =	vld.idx.msk [tilespmem:v10+s12+$0x0], $0xffff  }
0x35: {  	v21 =	vand.u32 $0x3F, v21;
	v17 =	vld.idx.msk [tilespmem:v12+s11+$0x0], $0xffff  }
0x36: {  	v31 =	vadd.s32 $0xF, v1;
	v30 =	vor.u32 v2, v21;
	v12 =	vld.idx.msk [tilespmem:v12+s12+$0x0], $0xffff  }
0x37: {  	v49 =	vadd.s32 $0x15, v1;
	v21 =	vand.u32 $0x3F, v31;
	v20 =	vld.idx.msk [tilespmem:v54+s11+$0x0], $0xffff  }
0x38: {  	v16 =	vadd.s32 $0x8, v1;
	v34 =	vor.u32 v2, v21;
	v21 =	vand.u32 $0x3F, v49;
	v25 =	vld.idx.msk [tilespmem:v57+s11+$0x0], $0xffff  }
0x39: {  	v58 =	vadd.s32 $0xA, v1;
	v61 =	vadd.s32 $0xB, v1;
	v53 =	vor.u32 v2, v21;
	v59 =	vld.idx.msk [tilespmem:v14+s11+$0x0], $0xffff  }
0x3a: {  	v23 =	vadd.s32 $0xC, v1;
	v27 =	vadd.s32 $0xD, v1;
	v38 =	vadd.s32 $0x11, v1;
	v14 =	vld.idx.msk [tilespmem:v14+s12+$0x0], $0xffff  }
0x3b: {  	v60 =	vand.u32 $0x3F, v58;
	v40 =	vld.idx.msk [tilespmem:v30+s11+$0x0], $0xffff;
	v3 =	vmul.bf16 v3, v9;
	v6 =	vmul.bf16 v6, v11  }
0x3c: {  	v22 =	vand.u32 $0x3F, v61;
	v41 =	vld.idx.msk [tilespmem:v30+s12+$0x0], $0xffff;
	v7 =	vmul.bf16 v7, v13;
	v8 =	vmul.bf16 v8, v15  }
0x3d: {  	v9 =	vld.idx.msk [tilespmem:v57+s12+$0x0], $0xffff;
	v15 =	vor.u32 v2, v60;
	v62 =	vmul.bf16 v10, v56;
	v11 =	vor.u32 v2, v22  }
0x3e: {  	v12 =	vmul.bf16 v12, v17;
	v17 =	vand.u32 $0x3F, v23;
	v60 =	vld.idx.msk [tilespmem:v53+s12+$0x0], $0xffff;
	v6 =	vadd.bf16 v6, v3  }
0x3f: {  	v26 =	vor.u32 v2, v17;
	v13 =	vmul.bf16 v14, v59;
	v59 =	vld.idx.msk [tilespmem:v53+s11+$0x0], $0xffff;
	v7 =	vadd.bf16 v8, v7  }
0x40: {  	v8 =	vadd.bf16 v12, v62;
	v12 =	vld.idx.msk [tilespmem:v34+s12+$0x0], $0xffff;
	v19 =	vunpack.i.u.bf16.f32 v6;
	v6 =	vunpack.i.l.bf16.f32 v6  }
0x41: {  	v42 =	vadd.s32 $0x12, v1;
	v46 =	vadd.s32 $0x14, v1;
	v5 =	vadd.f32 v6, v5;
	v6 =	vld.idx.msk [tilespmem:v54+s12+$0x0], $0xffff  }
0x42: {  	v16 =	vand.u32 $0x38, v16;
	v48 =	vand.u32 $0x3F, v46;
	v17 =	vand.u32 $0x3F, v27;
	v29 =	vld.idx.msk [tilespmem:v11+s11+$0x0], $0xffff  }
0x43: {  	v16 =	vor.u32 v16, v2;
	v23 =	vadd.s32 $0x13, v1;
	v17 =	vor.u32 v2, v17;
	v11 =	vld.idx.msk [tilespmem:v11+s12+$0x0], $0xffff  }
0x44: {  	v22 =	vadd.s32 $0x10, v1;
	v45 =	vand.u32 $0x3F, v23;
	v3 =	vand.u32 $0x7, v1;
	v32 =	vld.idx.msk [tilespmem:v26+s11+$0x0], $0xffff  }
0x45: {  	v18 =	vor.u32 v2, v45;
	v24 =	vunpack.i.u.bf16.f32 v7;
	v7 =	vunpack.i.l.bf16.f32 v7;
	v33 =	vld.idx.msk [tilespmem:v26+s12+$0x0], $0xffff  }
0x46: {  	v35 =	vand.u32 $0x38, v22;
	v16 =	vor.u32 v3, v16;
	v5 =	vadd.f32 v7, v5;
	v7 =	vld.idx.msk [tilespmem:v15+s11+$0x0], $0xffff  }
0x47: {  	v58 =	vadd.s32 $0x17, v1;
	v61 =	vadd.s32 $0x19, v1;
	v37 =	vor.u32 v35, v2;
	v15 =	vld.idx.msk [tilespmem:v15+s12+$0x0], $0xffff  }
0x48: {  	v9 =	vmul.bf16 v9, v25;
	v4 =	vadd.f32 v19, v4;
	v19 =	vand.u32 $0x3F, v38;
	v36 =	vld.idx.msk [tilespmem:v17+s11+$0x0], $0xffff  }
0x49: {  	v28 =	vunpack.i.l.bf16.f32 v8;
	v54 =	vadd.s32 $0x16, v1;
	v19 =	vor.u32 v2, v19;
	v17 =	vld.idx.msk [tilespmem:v17+s12+$0x0], $0xffff  }
0x4a: {  	v8 =	vunpack.i.u.bf16.f32 v8;
	v21 =	vand.u32 $0x3F, v54;
	v4 =	vadd.f32 v24, v4;
	v55 =	vld.idx.msk [tilespmem:v18+s11+$0x0], $0xffff  }
0x4b: {  	v57 =	vor.u32 v2, v21;
	v21 =	vand.u32 $0x3F, v58;
	v24 =	vadd.s32 $0x18, v1;
	v63 =	vld.idx.msk [tilespmem:v16+s11+$0x0], $0xffff  }
0x4c: {  	v16 =	vld.idx.msk [tilespmem:v16+s12+$0x0], $0xffff;
	v21 =	vor.u32 v2, v21;
	v24 =	vand.u32 $0x38, v24;
	v5 =	vadd.f32 v28, v5  }
0x4d: {  	v56 =	vld.idx.msk [tilespmem:v18+s12+$0x0], $0xffff;
	v4 =	vadd.f32 v8, v4;
	v24 =	vor.u32 v24, v2;
	v6 =	vmul.bf16 v6, v20  }
0x4e: {  	v20 =	vand.u32 $0x3F, v42;
	v11 =	vmul.bf16 v11, v29;
	v29 =	vadd.s32 $0x1A, v1;
	v47 =	vld.idx.msk [tilespmem:v19+s11+$0x0], $0xffff  }
0x4f: {  	v20 =	vor.u32 v2, v20;
	v19 =	vld.idx.msk [tilespmem:v19+s12+$0x0], $0xffff;
	v8 =	vmul.bf16 v33, v32;
	v31 =	vand.u32 $0x3F, v29  }
0x50: {  	v33 =	vadd.s32 $0x1B, v1;
	v6 =	vadd.bf16 v13, v6;
	v7 =	vmul.bf16 v15, v7;
	v62 =	vld.idx.msk [tilespmem:v57+s11+$0x0], $0xffff  }
0x51: {  	v13 =	vmul.bf16 v17, v36;
	v10 =	vmul.bf16 v16, v63;
	v16 =	vor.u32 v3, v37;
	v63 =	vld.idx.msk [tilespmem:v57+s12+$0x0], $0xffff  }
0x52: {  	v3 =	vor.u32 v3, v24;
	v30 =	vld.idx.msk [tilespmem:v21+s11+$0x0], $0xffff;
	v24 =	vand.u32 $0x3F, v33;
	v39 =	vunpack.i.u.bf16.f32 v6  }
0x53: {  	v21 =	vld.idx.msk [tilespmem:v21+s12+$0x0], $0xffff;
	v6 =	vunpack.i.l.bf16.f32 v6;
	v7 =	vadd.bf16 v11, v7;
	v11 =	vor.u32 v2, v48  }
0x54: {  	v8 =	vadd.bf16 v13, v8;
	v13 =	vmul.bf16 v56, v55;
	v5 =	vadd.f32 v6, v5;
	v6 =	vld.idx.msk [tilespmem:v34+s11+$0x0], $0xffff  }
0x55: {  	v9 =	vadd.bf16 v9, v10;
	v4 =	vadd.f32 v39, v4;
	v10 =	vmul.bf16 v41, v40;
	v51 =	vld.idx.msk [tilespmem:v20+s11+$0x0], $0xffff  }
0x56: {  	v50 =	vunpack.i.l.bf16.f32 v7;
	v52 =	vld.idx.msk [tilespmem:v20+s12+$0x0], $0xffff;
	v7 =	vunpack.i.u.bf16.f32 v7;
	v25 =	vunpack.i.u.bf16.f32 v8  }
0x57: {  	v20 =	vand.u32 $0x3F, v61;
	v43 =	vunpack.i.u.bf16.f32 v9;
	v9 =	vunpack.i.l.bf16.f32 v9;
	v44 =	vld.idx.msk [tilespmem:v16+s11+$0x0], $0xffff  }
0x58: {  	v8 =	vunpack.i.l.bf16.f32 v8;
	v28 =	vor.u32 v2, v20;
	v16 =	vld.idx.msk [tilespmem:v16+s12+$0x0], $0xffff;
	v5 =	vadd.f32 v9, v5  }
0x59: {  	v4 =	vadd.f32 v43, v4;
	v9 =	vmul.bf16 v19, v47;
	v34 =	vld.idx.msk [tilespmem:v3+s11+$0x0], $0xffff;
	v6 =	vmul.bf16 v12, v6  }
0x5a: {  	v19 =	vor.u32 v2, v31;
	v3 =	vld.idx.msk [tilespmem:v3+s12+$0x0], $0xffff;
	v47 =	vadd.s32 $0x1F, v1;
	v5 =	vadd.f32 v50, v5  }
0x5b: {  	v22 =	vand.u32 $0x3F, v47;
	v4 =	vadd.f32 v7, v4;
	v7 =	vld.idx.msk [tilespmem:v11+s11+$0x0], $0xffff;
	v6 =	vadd.bf16 v6, v10  }
0x5c: {  	v11 =	vld.idx.msk [tilespmem:v11+s12+$0x0], $0xffff;
	v14 =	vmul.bf16 v52, v51;
	v51 =	vor.u32 v2, v22;
	v5 =	vadd.f32 v8, v5  }
0x5d: {  	v37 =	vld.idx.msk [tilespmem:v28+s11+$0x0], $0xffff;
	v15 =	vmul.bf16 v16, v44;
	v32 =	vunpack.i.u.bf16.f32 v6;
	v6 =	vunpack.i.l.bf16.f32 v6  }
0x5e: {  	v38 =	vld.idx.msk [tilespmem:v28+s12+$0x0], $0xffff;
	v44 =	vadd.s32 $0x1E, v1;
	v5 =	vadd.f32 v6, v5;
	v6 =	vor.u32 v2, v24  }
0x5f: {  	v35 =	vadd.s32 $0x1C, v1;
	v41 =	vld.idx.msk [tilespmem:v19+s11+$0x0], $0xffff;
	v46 =	vand.u32 $0x3F, v44  }
0x60: {  	v42 =	vld.idx.msk [tilespmem:v19+s12+$0x0], $0xffff;
	v13 =	vadd.bf16 v13, v14;
	v24 =	vand.u32 $0x3F, v35;
	v14 =	vor.u32 v2, v46  }
0x61: {  	v40 =	vadd.s32 $0x1D, v1;
	v4 =	vadd.f32 v25, v4;
	v39 =	vor.u32 v2, v24;
	v58 =	vld.idx.msk [tilespmem:v51+s11+$0x0], $0xffff  }
0x62: {  	v12 =	vmul.bf16 v60, v59;
	v9 =	vadd.bf16 v9, v15;
	v24 =	vand.u32 $0x3F, v40;
	v59 =	vld.idx.msk [tilespmem:v51+s12+$0x0], $0xffff  }
0x63: {  	v4 =	vadd.f32 v32, v4;
	v43 =	vor.u32 v2, v24;
	v45 =	vld.idx.msk [tilespmem:v6+s11+$0x0], $0xffff  }
0x64: {  	v7 =	vmul.bf16 v11, v7;
	v36 =	vunpack.i.u.bf16.f32 v9;
	v9 =	vunpack.i.l.bf16.f32 v9;
	v6 =	vld.idx.msk [tilespmem:v6+s12+$0x0], $0xffff  }
0x65: {  	v53 =	vmul.bf16 v21, v30;
	v8 =	vmul.bf16 v63, v62;
	v5 =	vadd.f32 v9, v5;
	v56 =	vld.idx.msk [tilespmem:v14+s11+$0x0], $0xffff  }
0x66: {  	v48 =	vunpack.i.l.bf16.f32 v13;
	v7 =	vadd.bf16 v12, v7;
	v4 =	vadd.f32 v36, v4;
	v49 =	vld.idx.msk [tilespmem:v39+s11+$0x0], $0xffff  }
0x67: {  	v3 =	vmul.bf16 v3, v34;
	v52 =	vunpack.i.u.bf16.f32 v13;
	v5 =	vadd.f32 v48, v5;
	v50 =	vld.idx.msk [tilespmem:v39+s12+$0x0], $0xffff  }
0x68: {  	v8 =	vadd.bf16 v53, v8;
	v55 =	vunpack.i.l.bf16.f32 v7;
	v4 =	vadd.f32 v52, v4;
	v54 =	vld.idx.msk [tilespmem:v43+s11+$0x0], $0xffff  }
0x69: {  	v57 =	vmul.bf16 v38, v37;
	v7 =	vunpack.i.u.bf16.f32 v7;
	v19 =	vld.idx.msk [tilespmem:v43+s12+$0x0], $0xffff;
	v5 =	vadd.f32 v55, v5  }
0x6a: {  	v14 =	vld.idx.msk [tilespmem:v14+s12+$0x0], $0xffff;
	v4 =	vadd.f32 v7, v4;
	v7 =	vunpack.i.l.bf16.f32 v8  }
0x6b: {  	v3 =	vadd.bf16 v57, v3;
	v5 =	vadd.f32 v7, v5;
	v7 =	vunpack.i.u.bf16.f32 v8  }
0x6c: {  	v4 =	vadd.f32 v7, v4;
	v7 =	vmul.bf16 v42, v41;
	v6 =	vmul.bf16 v6, v45  }
0x6d: {  	v62 =	vunpack.i.l.bf16.f32 v3;
	v3 =	vunpack.i.u.bf16.f32 v3;
	v8 =	vmul.bf16 v59, v58  }
0x6e: {  	v60 =	vmul.bf16 v50, v49;
	v61 =	vmul.bf16 v19, v54;
	v6 =	vadd.bf16 v6, v7  }
0x6f: {  	v5 =	vadd.f32 v62, v5;
	v3 =	vadd.f32 v3, v4;
	v7 =	vmul.bf16 v14, v56  }
0x70: {  	p1 =	por p0, p0;
	v4 =	vadd.bf16 v61, v60;
	v63 =	vunpack.i.u.bf16.f32 v6;
	v6 =	vunpack.i.l.bf16.f32 v6  }
.Ltmp0:
0x71: {  	v5 =	vadd.f32 v6, v5;
	v3 =	vadd.f32 v63, v3;
	(pc) =	sbr.rel @p1 .LBB2_4-.Ltmp0, $4  }
0x72: {  	v7 =	vadd.bf16 v8, v7;
	v6 =	vunpack.i.u.bf16.f32 v4;
	v4 =	vunpack.i.l.bf16.f32 v4  }
0x73: {  	v4 =	vadd.f32 v4, v5;
	v3 =	vadd.f32 v6, v3  }
0x74: {  	v6 =	vunpack.i.u.bf16.f32 v7;
	v5 =	vunpack.i.l.bf16.f32 v7  }
0x75: {  	p0 =	por $0x0, $0x0;
	v1 =	vxor.u32 $0x20, v1;
	v5 =	vadd.f32 v5, v4;
	v4 =	vadd.f32 v6, v3  }
0x76: {  	s22 =	sadd.s32 $0x1, s22  }
0x77: {  	p0 =	sne.s32 s22, $0x5  }
.Ltmp1:
0x78: {  	_ = 	snop;
	(pc) =	sbr.rel @p0 .LBB2_3-.Ltmp1, $3  }
0x79: {  	_ = 	snop  }
0x7a: {  	v1 =	vadd.f32 v4, v5;
	_ =	sdelay $0x1  }
0x7b: {  	[tilespmem:v0+s23+$0x0 ss:$0x1] =	vst.idx.msk $0xffff, v1  }
0x7c: {  	s22 =	sadd.s32 $0xA0, s21  }
0x7d: {  	[tilespmem:s11], [sflag:$0x1] =	stream.indirect.gather [hbm4b:s2+s10], $0x40, s22, s10, $0xb8;
	[tilespmem:$0xC530] =	vst v63  }
0x7e: {  	s30 =	sadd.s32 $0x27B0, s21  }
0x7f: {  	[tilespmem:s12], [sflag:$0x1] =	stream.indirect.gather [hbm4b:s2+s10], $0x40, s30, s10, $0xb8;
	[tilespmem:$0xC530] =	vst v63  }
0x80: {  	_ =	swait.ge [sflag:s16], $0x1400  }
0x81: {  	[sflag:s16] =	ssyncset.done $0x0  }
0x82: {  	[sflag:s16] =	ssyncadd.s32 $0xFFFFEC00  }
0x83: {  	_ =	swait.ge [sflag:s16], $0x1400  }
0x84: {  	s31 =	sadd.s32 $0x9E20, s20;
	[sflag:s16] =	ssyncset.done $0x0  }
0x85: {  	s20 =	simm.s32 $0x0;
	v0 =	vmov s31;
	[sflag:s16] =	ssyncadd.s32 $0xFFFFEC00  }
.LBB2_7:
0x86: {  	s21 =	sshll.u32 s20, $0x4;
	v1 =	vlaneseq.u32  }
0x87: {  	v2 =	vmov s21;
	v3 =	vmul.u32 $0x40, v1  }
0x88: {  	v2 =	vshll.u32 v2, $0x6  }
0x89: {  	p0 =	por $0x1, $0x1;
	v4 =	vimm.f32 $0.0e+00;
	v5 =	vimm.f32 $0.0e+00;
	v2 =	vor.u32 v3, v2  }
.LBB2_8:
0x8a: {  	v3 =	vor.u32 v2, v1;
	v6 =	vadd.s32 $0x1, v1  }
0x8b: {  	v6 =	vand.u32 $0x3F, v6  }
0x8c: {  	v7 =	vadd.s32 $0x2, v1;
	v6 =	vor.u32 v2, v6  }
0x8d: {  	v7 =	vand.u32 $0x3F, v7  }
0x8e: {  	v8 =	vadd.s32 $0x3, v1;
	v7 =	vor.u32 v2, v7  }
0x8f: {  	v8 =	vand.u32 $0x3F, v8;
	v9 =	vld.idx.msk [tilespmem:v3+s13+$0x0], $0xffff  }
0x90: {  	v10 =	vadd.s32 $0x4, v1;
	v8 =	vor.u32 v2, v8;
	v3 =	vld.idx.msk [tilespmem:v3+s14+$0x0], $0xffff  }
0x91: {  	v10 =	vand.u32 $0x3F, v10;
	v11 =	vld.idx.msk [tilespmem:v6+s13+$0x0], $0xffff  }
0x92: {  	v12 =	vadd.s32 $0x5, v1;
	v10 =	vor.u32 v2, v10;
	v6 =	vld.idx.msk [tilespmem:v6+s14+$0x0], $0xffff  }
0x93: {  	v12 =	vand.u32 $0x3F, v12;
	v13 =	vld.idx.msk [tilespmem:v7+s13+$0x0], $0xffff  }
0x94: {  	v14 =	vadd.s32 $0x6, v1;
	v12 =	vor.u32 v2, v12;
	v7 =	vld.idx.msk [tilespmem:v7+s14+$0x0], $0xffff  }
0x95: {  	v18 =	vadd.s32 $0x9, v1;
	v14 =	vand.u32 $0x3F, v14;
	v15 =	vld.idx.msk [tilespmem:v8+s13+$0x0], $0xffff  }
0x96: {  	v55 =	vadd.s32 $0x7, v1;
	v18 =	vand.u32 $0x3F, v18;
	v54 =	vor.u32 v2, v14;
	v8 =	vld.idx.msk [tilespmem:v8+s14+$0x0], $0xffff  }
0x97: {  	v14 =	vand.u32 $0x3F, v55;
	v57 =	vor.u32 v2, v18;
	v56 =	vld.idx.msk [tilespmem:v10+s13+$0x0], $0xffff  }
0x98: {  	v21 =	vadd.s32 $0xE, v1;
	v14 =	vor.u32 v2, v14;
	v10 =	vld.idx.msk [tilespmem:v10+s14+$0x0], $0xffff  }
0x99: {  	v21 =	vand.u32 $0x3F, v21;
	v17 =	vld.idx.msk [tilespmem:v12+s13+$0x0], $0xffff  }
0x9a: {  	v31 =	vadd.s32 $0xF, v1;
	v30 =	vor.u32 v2, v21;
	v12 =	vld.idx.msk [tilespmem:v12+s14+$0x0], $0xffff  }
0x9b: {  	v49 =	vadd.s32 $0x15, v1;
	v21 =	vand.u32 $0x3F, v31;
	v20 =	vld.idx.msk [tilespmem:v54+s13+$0x0], $0xffff  }
0x9c: {  	v16 =	vadd.s32 $0x8, v1;
	v34 =	vor.u32 v2, v21;
	v21 =	vand.u32 $0x3F, v49;
	v25 =	vld.idx.msk [tilespmem:v57+s13+$0x0], $0xffff  }
0x9d: {  	v58 =	vadd.s32 $0xA, v1;
	v61 =	vadd.s32 $0xB, v1;
	v53 =	vor.u32 v2, v21;
	v59 =	vld.idx.msk [tilespmem:v14+s13+$0x0], $0xffff  }
0x9e: {  	v23 =	vadd.s32 $0xC, v1;
	v27 =	vadd.s32 $0xD, v1;
	v38 =	vadd.s32 $0x11, v1;
	v14 =	vld.idx.msk [tilespmem:v14+s14+$0x0], $0xffff  }
0x9f: {  	v60 =	vand.u32 $0x3F, v58;
	v40 =	vld.idx.msk [tilespmem:v30+s13+$0x0], $0xffff;
	v3 =	vmul.bf16 v3, v9;
	v6 =	vmul.bf16 v6, v11  }
0xa0: {  	v22 =	vand.u32 $0x3F, v61;
	v41 =	vld.idx.msk [tilespmem:v30+s14+$0x0], $0xffff;
	v7 =	vmul.bf16 v7, v13;
	v8 =	vmul.bf16 v8, v15  }
0xa1: {  	v9 =	vld.idx.msk [tilespmem:v57+s14+$0x0], $0xffff;
	v15 =	vor.u32 v2, v60;
	v62 =	vmul.bf16 v10, v56;
	v11 =	vor.u32 v2, v22  }
0xa2: {  	v12 =	vmul.bf16 v12, v17;
	v17 =	vand.u32 $0x3F, v23;
	v60 =	vld.idx.msk [tilespmem:v53+s14+$0x0], $0xffff;
	v6 =	vadd.bf16 v6, v3  }
0xa3: {  	v26 =	vor.u32 v2, v17;
	v13 =	vmul.bf16 v14, v59;
	v59 =	vld.idx.msk [tilespmem:v53+s13+$0x0], $0xffff;
	v7 =	vadd.bf16 v8, v7  }
0xa4: {  	v8 =	vadd.bf16 v12, v62;
	v12 =	vld.idx.msk [tilespmem:v34+s14+$0x0], $0xffff;
	v19 =	vunpack.i.u.bf16.f32 v6;
	v6 =	vunpack.i.l.bf16.f32 v6  }
0xa5: {  	v42 =	vadd.s32 $0x12, v1;
	v46 =	vadd.s32 $0x14, v1;
	v5 =	vadd.f32 v6, v5;
	v6 =	vld.idx.msk [tilespmem:v54+s14+$0x0], $0xffff  }
0xa6: {  	v16 =	vand.u32 $0x38, v16;
	v48 =	vand.u32 $0x3F, v46;
	v17 =	vand.u32 $0x3F, v27;
	v29 =	vld.idx.msk [tilespmem:v11+s13+$0x0], $0xffff  }
0xa7: {  	v16 =	vor.u32 v16, v2;
	v23 =	vadd.s32 $0x13, v1;
	v17 =	vor.u32 v2, v17;
	v11 =	vld.idx.msk [tilespmem:v11+s14+$0x0], $0xffff  }
0xa8: {  	v22 =	vadd.s32 $0x10, v1;
	v45 =	vand.u32 $0x3F, v23;
	v3 =	vand.u32 $0x7, v1;
	v32 =	vld.idx.msk [tilespmem:v26+s13+$0x0], $0xffff  }
0xa9: {  	v18 =	vor.u32 v2, v45;
	v24 =	vunpack.i.u.bf16.f32 v7;
	v7 =	vunpack.i.l.bf16.f32 v7;
	v33 =	vld.idx.msk [tilespmem:v26+s14+$0x0], $0xffff  }
0xaa: {  	v35 =	vand.u32 $0x38, v22;
	v16 =	vor.u32 v3, v16;
	v5 =	vadd.f32 v7, v5;
	v7 =	vld.idx.msk [tilespmem:v15+s13+$0x0], $0xffff  }
0xab: {  	v58 =	vadd.s32 $0x17, v1;
	v61 =	vadd.s32 $0x19, v1;
	v37 =	vor.u32 v35, v2;
	v15 =	vld.idx.msk [tilespmem:v15+s14+$0x0], $0xffff  }
0xac: {  	v9 =	vmul.bf16 v9, v25;
	v4 =	vadd.f32 v19, v4;
	v19 =	vand.u32 $0x3F, v38;
	v36 =	vld.idx.msk [tilespmem:v17+s13+$0x0], $0xffff  }
0xad: {  	v28 =	vunpack.i.l.bf16.f32 v8;
	v54 =	vadd.s32 $0x16, v1;
	v19 =	vor.u32 v2, v19;
	v17 =	vld.idx.msk [tilespmem:v17+s14+$0x0], $0xffff  }
0xae: {  	v8 =	vunpack.i.u.bf16.f32 v8;
	v21 =	vand.u32 $0x3F, v54;
	v4 =	vadd.f32 v24, v4;
	v55 =	vld.idx.msk [tilespmem:v18+s13+$0x0], $0xffff  }
0xaf: {  	v57 =	vor.u32 v2, v21;
	v21 =	vand.u32 $0x3F, v58;
	v24 =	vadd.s32 $0x18, v1;
	v63 =	vld.idx.msk [tilespmem:v16+s13+$0x0], $0xffff  }
0xb0: {  	v16 =	vld.idx.msk [tilespmem:v16+s14+$0x0], $0xffff;
	v21 =	vor.u32 v2, v21;
	v24 =	vand.u32 $0x38, v24;
	v5 =	vadd.f32 v28, v5  }
0xb1: {  	v56 =	vld.idx.msk [tilespmem:v18+s14+$0x0], $0xffff;
	v4 =	vadd.f32 v8, v4;
	v24 =	vor.u32 v24, v2;
	v6 =	vmul.bf16 v6, v20  }
0xb2: {  	v20 =	vand.u32 $0x3F, v42;
	v11 =	vmul.bf16 v11, v29;
	v29 =	vadd.s32 $0x1A, v1;
	v47 =	vld.idx.msk [tilespmem:v19+s13+$0x0], $0xffff  }
0xb3: {  	v20 =	vor.u32 v2, v20;
	v19 =	vld.idx.msk [tilespmem:v19+s14+$0x0], $0xffff;
	v8 =	vmul.bf16 v33, v32;
	v31 =	vand.u32 $0x3F, v29  }
0xb4: {  	v33 =	vadd.s32 $0x1B, v1;
	v6 =	vadd.bf16 v13, v6;
	v7 =	vmul.bf16 v15, v7;
	v62 =	vld.idx.msk [tilespmem:v57+s13+$0x0], $0xffff  }
0xb5: {  	v13 =	vmul.bf16 v17, v36;
	v10 =	vmul.bf16 v16, v63;
	v16 =	vor.u32 v3, v37;
	v63 =	vld.idx.msk [tilespmem:v57+s14+$0x0], $0xffff  }
0xb6: {  	v3 =	vor.u32 v3, v24;
	v30 =	vld.idx.msk [tilespmem:v21+s13+$0x0], $0xffff;
	v24 =	vand.u32 $0x3F, v33;
	v39 =	vunpack.i.u.bf16.f32 v6  }
0xb7: {  	v21 =	vld.idx.msk [tilespmem:v21+s14+$0x0], $0xffff;
	v6 =	vunpack.i.l.bf16.f32 v6;
	v7 =	vadd.bf16 v11, v7;
	v11 =	vor.u32 v2, v48  }
0xb8: {  	v8 =	vadd.bf16 v13, v8;
	v13 =	vmul.bf16 v56, v55;
	v5 =	vadd.f32 v6, v5;
	v6 =	vld.idx.msk [tilespmem:v34+s13+$0x0], $0xffff  }
0xb9: {  	v9 =	vadd.bf16 v9, v10;
	v4 =	vadd.f32 v39, v4;
	v10 =	vmul.bf16 v41, v40;
	v51 =	vld.idx.msk [tilespmem:v20+s13+$0x0], $0xffff  }
0xba: {  	v50 =	vunpack.i.l.bf16.f32 v7;
	v52 =	vld.idx.msk [tilespmem:v20+s14+$0x0], $0xffff;
	v7 =	vunpack.i.u.bf16.f32 v7;
	v25 =	vunpack.i.u.bf16.f32 v8  }
0xbb: {  	v20 =	vand.u32 $0x3F, v61;
	v43 =	vunpack.i.u.bf16.f32 v9;
	v9 =	vunpack.i.l.bf16.f32 v9;
	v44 =	vld.idx.msk [tilespmem:v16+s13+$0x0], $0xffff  }
0xbc: {  	v8 =	vunpack.i.l.bf16.f32 v8;
	v28 =	vor.u32 v2, v20;
	v16 =	vld.idx.msk [tilespmem:v16+s14+$0x0], $0xffff;
	v5 =	vadd.f32 v9, v5  }
0xbd: {  	v4 =	vadd.f32 v43, v4;
	v9 =	vmul.bf16 v19, v47;
	v34 =	vld.idx.msk [tilespmem:v3+s13+$0x0], $0xffff;
	v6 =	vmul.bf16 v12, v6  }
0xbe: {  	v19 =	vor.u32 v2, v31;
	v3 =	vld.idx.msk [tilespmem:v3+s14+$0x0], $0xffff;
	v47 =	vadd.s32 $0x1F, v1;
	v5 =	vadd.f32 v50, v5  }
0xbf: {  	v22 =	vand.u32 $0x3F, v47;
	v4 =	vadd.f32 v7, v4;
	v7 =	vld.idx.msk [tilespmem:v11+s13+$0x0], $0xffff;
	v6 =	vadd.bf16 v6, v10  }
0xc0: {  	v11 =	vld.idx.msk [tilespmem:v11+s14+$0x0], $0xffff;
	v14 =	vmul.bf16 v52, v51;
	v51 =	vor.u32 v2, v22;
	v5 =	vadd.f32 v8, v5  }
0xc1: {  	v37 =	vld.idx.msk [tilespmem:v28+s13+$0x0], $0xffff;
	v15 =	vmul.bf16 v16, v44;
	v32 =	vunpack.i.u.bf16.f32 v6;
	v6 =	vunpack.i.l.bf16.f32 v6  }
0xc2: {  	v38 =	vld.idx.msk [tilespmem:v28+s14+$0x0], $0xffff;
	v44 =	vadd.s32 $0x1E, v1;
	v5 =	vadd.f32 v6, v5;
	v6 =	vor.u32 v2, v24  }
0xc3: {  	v35 =	vadd.s32 $0x1C, v1;
	v41 =	vld.idx.msk [tilespmem:v19+s13+$0x0], $0xffff;
	v46 =	vand.u32 $0x3F, v44  }
0xc4: {  	v42 =	vld.idx.msk [tilespmem:v19+s14+$0x0], $0xffff;
	v13 =	vadd.bf16 v13, v14;
	v24 =	vand.u32 $0x3F, v35;
	v14 =	vor.u32 v2, v46  }
0xc5: {  	v40 =	vadd.s32 $0x1D, v1;
	v4 =	vadd.f32 v25, v4;
	v39 =	vor.u32 v2, v24;
	v58 =	vld.idx.msk [tilespmem:v51+s13+$0x0], $0xffff  }
0xc6: {  	v12 =	vmul.bf16 v60, v59;
	v9 =	vadd.bf16 v9, v15;
	v24 =	vand.u32 $0x3F, v40;
	v59 =	vld.idx.msk [tilespmem:v51+s14+$0x0], $0xffff  }
0xc7: {  	v4 =	vadd.f32 v32, v4;
	v43 =	vor.u32 v2, v24;
	v45 =	vld.idx.msk [tilespmem:v6+s13+$0x0], $0xffff  }
0xc8: {  	v7 =	vmul.bf16 v11, v7;
	v36 =	vunpack.i.u.bf16.f32 v9;
	v9 =	vunpack.i.l.bf16.f32 v9;
	v6 =	vld.idx.msk [tilespmem:v6+s14+$0x0], $0xffff  }
0xc9: {  	v53 =	vmul.bf16 v21, v30;
	v8 =	vmul.bf16 v63, v62;
	v5 =	vadd.f32 v9, v5;
	v56 =	vld.idx.msk [tilespmem:v14+s13+$0x0], $0xffff  }
0xca: {  	v48 =	vunpack.i.l.bf16.f32 v13;
	v7 =	vadd.bf16 v12, v7;
	v4 =	vadd.f32 v36, v4;
	v49 =	vld.idx.msk [tilespmem:v39+s13+$0x0], $0xffff  }
0xcb: {  	v3 =	vmul.bf16 v3, v34;
	v52 =	vunpack.i.u.bf16.f32 v13;
	v5 =	vadd.f32 v48, v5;
	v50 =	vld.idx.msk [tilespmem:v39+s14+$0x0], $0xffff  }
0xcc: {  	v8 =	vadd.bf16 v53, v8;
	v55 =	vunpack.i.l.bf16.f32 v7;
	v4 =	vadd.f32 v52, v4;
	v54 =	vld.idx.msk [tilespmem:v43+s13+$0x0], $0xffff  }
0xcd: {  	v57 =	vmul.bf16 v38, v37;
	v7 =	vunpack.i.u.bf16.f32 v7;
	v19 =	vld.idx.msk [tilespmem:v43+s14+$0x0], $0xffff;
	v5 =	vadd.f32 v55, v5  }
0xce: {  	v14 =	vld.idx.msk [tilespmem:v14+s14+$0x0], $0xffff;
	v4 =	vadd.f32 v7, v4;
	v7 =	vunpack.i.l.bf16.f32 v8  }
0xcf: {  	v3 =	vadd.bf16 v57, v3;
	v5 =	vadd.f32 v7, v5;
	v7 =	vunpack.i.u.bf16.f32 v8  }
0xd0: {  	v4 =	vadd.f32 v7, v4;
	v7 =	vmul.bf16 v42, v41;
	v6 =	vmul.bf16 v6, v45  }
0xd1: {  	v62 =	vunpack.i.l.bf16.f32 v3;
	v3 =	vunpack.i.u.bf16.f32 v3;
	v8 =	vmul.bf16 v59, v58  }
0xd2: {  	v60 =	vmul.bf16 v50, v49;
	v61 =	vmul.bf16 v19, v54;
	v6 =	vadd.bf16 v6, v7  }
0xd3: {  	v5 =	vadd.f32 v62, v5;
	v3 =	vadd.f32 v3, v4;
	v7 =	vmul.bf16 v14, v56  }
0xd4: {  	p1 =	por p0, p0;
	v4 =	vadd.bf16 v61, v60;
	v63 =	vunpack.i.u.bf16.f32 v6;
	v6 =	vunpack.i.l.bf16.f32 v6  }
.Ltmp2:
0xd5: {  	v5 =	vadd.f32 v6, v5;
	v3 =	vadd.f32 v63, v3;
	(pc) =	sbr.rel @p1 .LBB2_8-.Ltmp2, $4  }
0xd6: {  	v7 =	vadd.bf16 v8, v7;
	v6 =	vunpack.i.u.bf16.f32 v4;
	v4 =	vunpack.i.l.bf16.f32 v4  }
0xd7: {  	v4 =	vadd.f32 v4, v5;
	v3 =	vadd.f32 v6, v3  }
0xd8: {  	v6 =	vunpack.i.u.bf16.f32 v7;
	v5 =	vunpack.i.l.bf16.f32 v7  }
0xd9: {  	p0 =	por $0x0, $0x0;
	v1 =	vxor.u32 $0x20, v1;
	v5 =	vadd.f32 v5, v4;
	v4 =	vadd.f32 v6, v3  }
0xda: {  	s20 =	sadd.s32 $0x1, s20  }
0xdb: {  	p0 =	sne.s32 s20, $0x5  }
.Ltmp3:
0xdc: {  	_ = 	snop;
	(pc) =	sbr.rel @p0 .LBB2_7-.Ltmp3, $3  }
0xdd: {  	_ = 	snop  }
0xde: {  	v1 =	vadd.f32 v4, v5;
	_ =	sdelay $0x1  }
0xdf: {  	[tilespmem:v0+s21+$0x0 ss:$0x1] =	vst.idx.msk $0xffff, v1  }
0xe0: {  	s19 =	sadd.s32 $0x1, s19  }
0xe1: {  	p0 =	sne.s32 s19, $0x3E  }
.Ltmp4:
0xe2: {  	_ = 	snop;
	(pc) =	sbr.rel @p0 .LBB2_2-.Ltmp4, $1  }
0xe3: {  	_ =	sdelay $0x3  }
0xe4: {  	_ =	swait.ge [sflag:s15], $0x1400  }
0xe5: {  	[sflag:s15] =	ssyncset.done $0x0  }
0xe6: {  	[sflag:s15] =	ssyncadd.s32 $0xFFFFEC00  }
0xe7: {  	_ =	swait.ge [sflag:s15], $0x1400  }
0xe8: {  	[sflag:s15] =	ssyncset.done $0x0  }
0xe9: {  	s19 =	simm.s32 $0x0;
	[sflag:s15] =	ssyncadd.s32 $0xFFFFEC00  }
.LBB2_12:
0xea: {  	s20 =	sshll.u32 s19, $0x4;
	v0 =	vlaneseq.u32  }
0xeb: {  	v1 =	vmov s20;
	v2 =	vmul.u32 $0x40, v0  }
0xec: {  	v1 =	vshll.u32 v1, $0x6  }
0xed: {  	p0 =	por $0x1, $0x1;
	v3 =	vimm.f32 $0.0e+00;
	v4 =	vimm.f32 $0.0e+00;
	v1 =	vor.u32 v2, v1  }
.LBB2_13:
0xee: {  	v2 =	vor.u32 v1, v0;
	v5 =	vadd.s32 $0x1, v0  }
0xef: {  	v5 =	vand.u32 $0x3F, v5  }
0xf0: {  	v6 =	vadd.s32 $0x2, v0;
	v5 =	vor.u32 v1, v5  }
0xf1: {  	v6 =	vand.u32 $0x3F, v6  }
0xf2: {  	v7 =	vadd.s32 $0x3, v0;
	v6 =	vor.u32 v1, v6  }
0xf3: {  	v7 =	vand.u32 $0x3F, v7;
	v8 =	vld.idx.msk [tilespmem:v2+s11+$0x0], $0xffff  }
0xf4: {  	v9 =	vadd.s32 $0x4, v0;
	v7 =	vor.u32 v1, v7;
	v2 =	vld.idx.msk [tilespmem:v2+s12+$0x0], $0xffff  }
0xf5: {  	v9 =	vand.u32 $0x3F, v9;
	v10 =	vld.idx.msk [tilespmem:v5+s11+$0x0], $0xffff  }
0xf6: {  	v11 =	vadd.s32 $0x5, v0;
	v9 =	vor.u32 v1, v9;
	v5 =	vld.idx.msk [tilespmem:v5+s12+$0x0], $0xffff  }
0xf7: {  	v11 =	vand.u32 $0x3F, v11;
	v12 =	vld.idx.msk [tilespmem:v6+s11+$0x0], $0xffff  }
0xf8: {  	v13 =	vadd.s32 $0x6, v0;
	v11 =	vor.u32 v1, v11;
	v6 =	vld.idx.msk [tilespmem:v6+s12+$0x0], $0xffff  }
0xf9: {  	v17 =	vadd.s32 $0x9, v0;
	v13 =	vand.u32 $0x3F, v13;
	v14 =	vld.idx.msk [tilespmem:v7+s11+$0x0], $0xffff  }
0xfa: {  	v20 =	vadd.s32 $0xE, v0;
	v17 =	vand.u32 $0x3F, v17;
	v58 =	vor.u32 v1, v13;
	v7 =	vld.idx.msk [tilespmem:v7+s12+$0x0], $0xffff  }
0xfb: {  	v59 =	vadd.s32 $0x7, v0;
	v20 =	vand.u32 $0x3F, v20;
	v61 =	vor.u32 v1, v17;
	v60 =	vld.idx.msk [tilespmem:v9+s11+$0x0], $0xffff  }
0xfc: {  	v13 =	vand.u32 $0x3F, v59;
	v34 =	vor.u32 v1, v20;
	v9 =	vld.idx.msk [tilespmem:v9+s12+$0x0], $0xffff  }
0xfd: {  	v13 =	vor.u32 v1, v13;
	v16 =	vld.idx.msk [tilespmem:v11+s11+$0x0], $0xffff  }
0xfe: {  	v35 =	vadd.s32 $0xF, v0;
	v22 =	vadd.s32 $0x13, v0;
	v11 =	vld.idx.msk [tilespmem:v11+s12+$0x0], $0xffff  }
0xff: {  	v52 =	vadd.s32 $0x15, v0;
	v48 =	vand.u32 $0x3F, v22;
	v20 =	vand.u32 $0x3F, v35;
	v19 =	vld.idx.msk [tilespmem:v58+s11+$0x0], $0xffff  }
0x100: {  	v17 =	vor.u32 v1, v48;
	v37 =	vor.u32 v1, v20;
	v20 =	vand.u32 $0x3F, v52;
	v29 =	vld.idx.msk [tilespmem:v61+s11+$0x0], $0xffff  }
0x101: {  	v15 =	vadd.s32 $0x8, v0;
	v56 =	vor.u32 v1, v20;
	v43 =	vld.idx.msk [tilespmem:v34+s11+$0x0], $0xffff  }
0x102: {  	v62 =	vadd.s32 $0xA, v0;
	v24 =	vadd.s32 $0xB, v0;
	v27 =	vadd.s32 $0xC, v0;
	v63 =	vld.idx.msk [tilespmem:v13+s11+$0x0], $0xffff  }
0x103: {  	v31 =	vadd.s32 $0xD, v0;
	v21 =	vadd.s32 $0x10, v0;
	v41 =	vadd.s32 $0x11, v0;
	v13 =	vld.idx.msk [tilespmem:v13+s12+$0x0], $0xffff  }
0x104: {  	v23 =	vand.u32 $0x3F, v62;
	v44 =	vld.idx.msk [tilespmem:v34+s12+$0x0], $0xffff;
	v2 =	vmul.bf16 v2, v8;
	v5 =	vmul.bf16 v5, v10  }
0x105: {  	v26 =	vand.u32 $0x3F, v24;
	v59 =	vld.idx.msk [tilespmem:v17+s12+$0x0], $0xffff;
	v6 =	vmul.bf16 v6, v12;
	v7 =	vmul.bf16 v7, v14  }
0x106: {  	v62 =	vld.idx.msk [tilespmem:v56+s11+$0x0], $0xffff;
	v11 =	vmul.bf16 v11, v16;
	v10 =	vor.u32 v1, v26;
	v16 =	vand.u32 $0x3F, v27  }
0x107: {  	v8 =	vld.idx.msk [tilespmem:v61+s12+$0x0], $0xffff;
	v5 =	vadd.bf16 v5, v2;
	v6 =	vadd.bf16 v7, v6;
	v7 =	vmul.bf16 v9, v60  }
0x108: {  	v45 =	vadd.s32 $0x12, v0;
	v30 =	vor.u32 v1, v16;
	v12 =	vmul.bf16 v13, v63;
	v63 =	vld.idx.msk [tilespmem:v56+s12+$0x0], $0xffff  }
0x109: {  	v18 =	vunpack.i.u.bf16.f32 v5;
	v5 =	vunpack.i.l.bf16.f32 v5;
	v7 =	vadd.bf16 v11, v7;
	v11 =	vld.idx.msk [tilespmem:v37+s12+$0x0], $0xffff  }
0x10a: {  	v49 =	vadd.s32 $0x14, v0;
	v14 =	vor.u32 v1, v23;
	v4 =	vadd.f32 v5, v4;
	v5 =	vld.idx.msk [tilespmem:v58+s12+$0x0], $0xffff  }
0x10b: {  	v57 =	vadd.s32 $0x16, v0;
	v15 =	vand.u32 $0x38, v15;
	v16 =	vand.u32 $0x3F, v31;
	v33 =	vld.idx.msk [tilespmem:v10+s11+$0x0], $0xffff  }
0x10c: {  	v38 =	vand.u32 $0x38, v21;
	v51 =	vand.u32 $0x3F, v49;
	v16 =	vor.u32 v1, v16;
	v10 =	vld.idx.msk [tilespmem:v10+s12+$0x0], $0xffff  }
0x10d: {  	v15 =	vor.u32 v15, v1;
	v40 =	vor.u32 v38, v1;
	v2 =	vand.u32 $0x7, v0;
	v58 =	vld.idx.msk [tilespmem:v17+s11+$0x0], $0xffff  }
0x10e: {  	v15 =	vor.u32 v2, v15;
	v28 =	vunpack.i.u.bf16.f32 v6;
	v6 =	vunpack.i.l.bf16.f32 v6;
	v36 =	vld.idx.msk [tilespmem:v30+s11+$0x0], $0xffff  }
0x10f: {  	v48 =	vadd.s32 $0x1F, v0;
	v20 =	vand.u32 $0x3F, v57;
	v4 =	vadd.f32 v6, v4;
	v6 =	vld.idx.msk [tilespmem:v14+s11+$0x0], $0xffff  }
0x110: {  	v21 =	vand.u32 $0x3F, v48;
	v61 =	vadd.s32 $0x17, v0;
	v60 =	vor.u32 v1, v20;
	v14 =	vld.idx.msk [tilespmem:v14+s12+$0x0], $0xffff  }
0x111: {  	v52 =	vor.u32 v1, v21;
	v34 =	vadd.s32 $0x1B, v0;
	v20 =	vand.u32 $0x3F, v61;
	v39 =	vld.idx.msk [tilespmem:v16+s11+$0x0], $0xffff  }
0x112: {  	v23 =	vadd.s32 $0x18, v0;
	v20 =	vor.u32 v1, v20;
	v3 =	vadd.f32 v18, v3;
	v16 =	vld.idx.msk [tilespmem:v16+s12+$0x0], $0xffff  }
0x113: {  	v27 =	vadd.s32 $0x19, v0;
	v23 =	vand.u32 $0x38, v23;
	v18 =	vand.u32 $0x3F, v41;
	v25 =	vld.idx.msk [tilespmem:v15+s11+$0x0], $0xffff  }
0x114: {  	v23 =	vor.u32 v23, v1;
	v18 =	vor.u32 v1, v18;
	v3 =	vadd.f32 v28, v3;
	v15 =	vld.idx.msk [tilespmem:v15+s12+$0x0], $0xffff  }
0x115: {  	v8 =	vmul.bf16 v8, v29;
	v32 =	vunpack.i.l.bf16.f32 v7;
	v7 =	vunpack.i.u.bf16.f32 v7;
	v28 =	vld.idx.msk [tilespmem:v60+s12+$0x0], $0xffff  }
0x116: {  	v3 =	vadd.f32 v7, v3;
	v7 =	vld.idx.msk [tilespmem:v30+s12+$0x0], $0xffff;
	v5 =	vmul.bf16 v5, v19;
	v19 =	vand.u32 $0x3F, v45  }
0x117: {  	v31 =	vld.idx.msk [tilespmem:v20+s11+$0x0], $0xffff;
	v4 =	vadd.f32 v32, v4;
	v30 =	vadd.s32 $0x1A, v0;
	v19 =	vor.u32 v1, v19  }
0x118: {  	v20 =	vld.idx.msk [tilespmem:v20+s12+$0x0], $0xffff;
	v10 =	vmul.bf16 v10, v33;
	v5 =	vadd.bf16 v12, v5;
	v6 =	vmul.bf16 v14, v6  }
0x119: {  	v32 =	vand.u32 $0x3F, v30;
	v50 =	vld.idx.msk [tilespmem:v18+s11+$0x0], $0xffff;
	v12 =	vmul.bf16 v16, v39;
	v9 =	vmul.bf16 v15, v25  }
0x11a: {  	v18 =	vld.idx.msk [tilespmem:v18+s12+$0x0], $0xffff;
	v15 =	vor.u32 v2, v40;
	v42 =	vunpack.i.u.bf16.f32 v5;
	v5 =	vunpack.i.l.bf16.f32 v5  }
0x11b: {  	v2 =	vor.u32 v2, v23;
	v7 =	vmul.bf16 v7, v36;
	v4 =	vadd.f32 v5, v4;
	v5 =	vld.idx.msk [tilespmem:v37+s11+$0x0], $0xffff  }
0x11c: {  	v6 =	vadd.bf16 v10, v6;
	v10 =	vor.u32 v1, v51;
	v8 =	vadd.bf16 v8, v9;
	v54 =	vld.idx.msk [tilespmem:v19+s11+$0x0], $0xffff  }
0x11d: {  	v3 =	vadd.f32 v42, v3;
	v9 =	vmul.bf16 v44, v43;
	v55 =	vld.idx.msk [tilespmem:v19+s12+$0x0], $0xffff;
	v7 =	vadd.bf16 v12, v7  }
0x11e: {  	v12 =	vmul.bf16 v59, v58;
	v59 =	vld.idx.msk [tilespmem:v52+s11+$0x0], $0xffff;
	v46 =	vunpack.i.u.bf16.f32 v8;
	v8 =	vunpack.i.l.bf16.f32 v8  }
0x11f: {  	v53 =	vunpack.i.l.bf16.f32 v6;
	v19 =	vand.u32 $0x3F, v27;
	v47 =	vld.idx.msk [tilespmem:v15+s11+$0x0], $0xffff;
	v4 =	vadd.f32 v8, v4  }
0x120: {  	v6 =	vunpack.i.u.bf16.f32 v6;
	v29 =	vor.u32 v1, v19;
	v15 =	vld.idx.msk [tilespmem:v15+s12+$0x0], $0xffff;
	v5 =	vmul.bf16 v11, v5  }
0x121: {  	v3 =	vadd.f32 v46, v3;
	v24 =	vunpack.i.u.bf16.f32 v7;
	v35 =	vld.idx.msk [tilespmem:v2+s11+$0x0], $0xffff;
	v4 =	vadd.f32 v53, v4  }
0x122: {  	v7 =	vunpack.i.l.bf16.f32 v7;
	v8 =	vmul.bf16 v18, v50;
	v2 =	vld.idx.msk [tilespmem:v2+s12+$0x0], $0xffff;
	v5 =	vadd.bf16 v5, v9  }
0x123: {  	v18 =	vor.u32 v1, v32;
	v3 =	vadd.f32 v6, v3;
	v6 =	vld.idx.msk [tilespmem:v10+s11+$0x0], $0xffff;
	v4 =	vadd.f32 v7, v4  }
0x124: {  	v23 =	vand.u32 $0x3F, v34;
	v10 =	vld.idx.msk [tilespmem:v10+s12+$0x0], $0xffff;
	v33 =	vunpack.i.u.bf16.f32 v5;
	v5 =	vunpack.i.l.bf16.f32 v5  }
0x125: {  	v36 =	vadd.s32 $0x1C, v0;
	v7 =	vld.idx.msk [tilespmem:v60+s11+$0x0], $0xffff;
	v4 =	vadd.f32 v5, v4;
	v5 =	vor.u32 v1, v23  }
0x126: {  	v41 =	vadd.s32 $0x1D, v0;
	v45 =	vadd.s32 $0x1E, v0;
	v38 =	vld.idx.msk [tilespmem:v29+s11+$0x0], $0xffff;
	v23 =	vand.u32 $0x3F, v36  }
0x127: {  	v11 =	vmul.bf16 v63, v62;
	v39 =	vld.idx.msk [tilespmem:v29+s12+$0x0], $0xffff;
	v14 =	vmul.bf16 v15, v47;
	v40 =	vor.u32 v1, v23  }
0x128: {  	v13 =	vmul.bf16 v55, v54;
	v3 =	vadd.f32 v24, v3;
	v42 =	vld.idx.msk [tilespmem:v18+s11+$0x0], $0xffff;
	v23 =	vand.u32 $0x3F, v41  }
0x129: {  	v43 =	vld.idx.msk [tilespmem:v18+s12+$0x0], $0xffff;
	v47 =	vand.u32 $0x3F, v45;
	v8 =	vadd.bf16 v8, v14;
	v44 =	vor.u32 v1, v23  }
0x12a: {  	v12 =	vadd.bf16 v12, v13;
	v13 =	vor.u32 v1, v47;
	v3 =	vadd.f32 v33, v3;
	v46 =	vld.idx.msk [tilespmem:v5+s11+$0x0], $0xffff  }
0x12b: {  	v6 =	vmul.bf16 v10, v6;
	v37 =	vunpack.i.u.bf16.f32 v8;
	v8 =	vunpack.i.l.bf16.f32 v8;
	v5 =	vld.idx.msk [tilespmem:v5+s12+$0x0], $0xffff  }
0x12c: {  	v54 =	vmul.bf16 v20, v31;
	v49 =	vunpack.i.l.bf16.f32 v12;
	v4 =	vadd.f32 v8, v4;
	v50 =	vld.idx.msk [tilespmem:v40+s11+$0x0], $0xffff  }
0x12d: {  	v6 =	vadd.bf16 v11, v6;
	v7 =	vmul.bf16 v28, v7;
	v3 =	vadd.f32 v37, v3;
	v51 =	vld.idx.msk [tilespmem:v40+s12+$0x0], $0xffff  }
0x12e: {  	v2 =	vmul.bf16 v2, v35;
	v53 =	vunpack.i.u.bf16.f32 v12;
	v4 =	vadd.f32 v49, v4;
	v55 =	vld.idx.msk [tilespmem:v44+s11+$0x0], $0xffff  }
0x12f: {  	v56 =	vunpack.i.l.bf16.f32 v6;
	v7 =	vadd.bf16 v54, v7;
	v3 =	vadd.f32 v53, v3;
	v18 =	vld.idx.msk [tilespmem:v44+s12+$0x0], $0xffff  }
0x130: {  	v58 =	vmul.bf16 v39, v38;
	v57 =	vld.idx.msk [tilespmem:v13+s11+$0x0], $0xffff;
	v6 =	vunpack.i.u.bf16.f32 v6;
	v4 =	vadd.f32 v56, v4  }
0x131: {  	v13 =	vld.idx.msk [tilespmem:v13+s12+$0x0], $0xffff;
	v3 =	vadd.f32 v6, v3;
	v6 =	vunpack.i.l.bf16.f32 v7  }
0x132: {  	v2 =	vadd.bf16 v58, v2;
	v4 =	vadd.f32 v6, v4;
	v6 =	vunpack.i.u.bf16.f32 v7;
	v7 =	vld.idx.msk [tilespmem:v52+s12+$0x0], $0xffff  }
0x133: {  	v3 =	vadd.f32 v6, v3;
	v6 =	vmul.bf16 v43, v42;
	v5 =	vmul.bf16 v5, v46  }
0x134: {  	v62 =	vunpack.i.l.bf16.f32 v2;
	v60 =	vmul.bf16 v51, v50;
	v61 =	vmul.bf16 v18, v55  }
0x135: {  	v2 =	vunpack.i.u.bf16.f32 v2;
	v4 =	vadd.f32 v62, v4;
	v5 =	vadd.bf16 v5, v6  }
0x136: {  	v2 =	vadd.f32 v2, v3;
	v6 =	vmul.bf16 v13, v57;
	v3 =	vadd.bf16 v61, v60  }
0x137: {  	p1 =	por p0, p0;
	v63 =	vunpack.i.u.bf16.f32 v5;
	v5 =	vunpack.i.l.bf16.f32 v5;
	v7 =	vmul.bf16 v7, v59  }
.Ltmp5:
0x138: {  	v4 =	vadd.f32 v5, v4;
	v2 =	vadd.f32 v63, v2;
	(pc) =	sbr.rel @p1 .LBB2_13-.Ltmp5, $4  }
0x139: {  	v5 =	vunpack.i.u.bf16.f32 v3;
	v3 =	vunpack.i.l.bf16.f32 v3;
	v6 =	vadd.bf16 v7, v6  }
0x13a: {  	v3 =	vadd.f32 v3, v4;
	v2 =	vadd.f32 v5, v2  }
0x13b: {  	v5 =	vunpack.i.u.bf16.f32 v6;
	v4 =	vunpack.i.l.bf16.f32 v6  }
0x13c: {  	p0 =	por $0x0, $0x0;
	v0 =	vxor.u32 $0x20, v0;
	v4 =	vadd.f32 v4, v3;
	v3 =	vadd.f32 v5, v2  }
0x13d: {  	s19 =	sadd.s32 $0x1, s19  }
0x13e: {  	p0 =	sne.s32 s19, $0x5  }
.Ltmp6:
0x13f: {  	_ = 	snop;
	(pc) =	sbr.rel @p0 .LBB2_12-.Ltmp6, $3  }
0x140: {  	_ = 	snop  }
0x141: {  	v0 =	vadd.f32 v3, v4;
	_ =	sdelay $0x1  }
0x142: {  	[tilespmem:s20+$0xC4E0] =	vst v0  }
0x143: {  	s18 =	sadd.s32 $0x1, s18  }
0x144: {  	p0 =	sne.s32 s18, s7  }
.Ltmp7:
0x145: {  	_ = 	snop;
	(pc) =	sbr.rel @p0 .LBB2_1-.Ltmp7, $4  }
0x146: {  	[hbm4b:s6+s3] =	stream.linear.scatter [tilespmem:s17], [sflag:$0x3], $0x2710, $0x38;
	[tilespmem:$0xC530] =	vst v63  }
0x147: {  	_ =	swait.ge [sflag:s8], $0x2710  }
0x148: {  	[sflag:s8] =	ssyncset.done $0x0  }
0x149: {  	[sflag:s8] =	ssyncadd.s32 $0xFFFFD8F0  }
0x14a: {  	_ =	sfence.sel $0x180000  }
0x14b: {  	[bflag:$0x0] =	sbarrier.arrive $0xFFFF  }
0x14c: {  	p0 =	sne.s32 s0, $0x0;
	_ =	strace $0x90000047  }
0x14d: {  	s0 =	sadd.s32 @!p0 $0x100000, s1;
	[bflag:$0x2] =	sbarrier.arrive $0xFFFF  }
0x14e: {  	[sflag:s0] =	ssyncadd.tile.s32 @!p0 $0x1;
	_ =	shalt  }
.Lfunc_end2:
_tile_overlayer_lowered:
.L_overlay_start_2:
0x14f: {  	(tag) =	ssettag $0x2  }
0x150: {  	s0 =	rddreg [dreg:$0x0];
	s2 =	stileid.u32  }
0x151: {  	s1 =	rddreg [dreg:$0x1];
	p0 =	sne.s32 s2, $0x0  }
0x152: {  	s3 =	rddreg [dreg:$0x2];
	[bflag:$0x3] =	sbarrier.arrive $0xFFFF;
	s2 =	simm.s32 @!p0 $0x1C03  }
0x153: {  	[timem:s3], [sflag:s2] =	dma.local @!p0 [hbm:s0], s1  }
0x154: {  	s0 =	simm.s32 @!p0 $0x3  }
0x155: {  	_ =	swait.ge @!p0 [sflag:s0], s1  }
0x156: {  	s1 =	ssub.s32 @!p0 $0x0, s1;
	[sflag:s0] =	ssyncset.done @!p0 $0x0  }
0x157: {  	[sflag:s0] =	ssyncadd.s32 @!p0 s1  }
0x158: {  	[bflag:$0x3] =	sbarrier.arrive $0xFFFF  }
0x159: {  	_ =	shalt  }

</sc_bundles>
